<compile_context>
chip_gen: v7x
topology: tpu7x:2x2x1
jax: 0.10.2.dev20260603
libtpu: 0.0.44.dev20260713+nightly
codegen_flags: <defaults>
</compile_context>

<pallas_src>
import jax
import jax.numpy as jnp
from jax import lax
from jax.experimental import pallas as pl
from jax.experimental.pallas import tpu as pltpu
from jax.experimental.pallas import tpu_sc as plsc

VOCAB = 1000000
DIM = 32
B = 16384
L = 50

_info = plsc.get_sparse_core_info()
NC, NS = _info.num_cores, _info.num_subcores
NW = NC * NS
B_PER_W = B // NW
SUB = 256
PACK = 4
PROWS = VOCAB // PACK


def _body(xt_hbm, embp_hbm, out_hbm,
          idx_all, gidx0, gidx1, off0, off1, p0, p1, tb0, tb1,
          gs0, gs1, ws0, ws1):
    gidx = (gidx0, gidx1)
    offb = (off0, off1)
    pbuf = (p0, p1)
    tb = (tb0, tb1)
    gsem = (gs0, gs1)
    wsem = (ws0, ws1)
    wid = lax.axis_index("s") * NC + lax.axis_index("c")
    bbase = wid * B_PER_W
    lanes = lax.iota(jnp.int32, 16)

    pltpu.sync_copy(xt_hbm.at[:, pl.ds(bbase, B_PER_W)], idx_all)

    def prep(l, h, pb):
        def grp(g, carry):
            s = pl.ds(pl.multiple_of(g * 16, 8), 16)
            v = idx_all[l, pl.ds(pl.multiple_of(h * SUB + g * 16, 8), 16)]
            gidx[pb][s] = jax.lax.shift_right_logical(v, 2)
            offb[pb][s] = jax.lax.shift_left(jnp.bitwise_and(v, 3), 5)
            return carry

        lax.fori_loop(0, SUB // 16, grp, 0)

    def g_start(pb):
        pltpu.async_copy(embp_hbm.at[gidx[pb]], pbuf[pb], gsem[pb])

    def g_wait(pb):
        pltpu.make_async_copy(embp_hbm.at[gidx[pb]], pbuf[pb], gsem[pb]).wait()

    def extract(pb):
        def grp(g, carry):
            s = pl.ds(pl.multiple_of(g * 16, 8), 16)
            rows = g * 16 + lanes
            offv = offb[pb][s]

            for f in range(DIM):
                tb[pb][f, s] = plsc.load_gather(pbuf[pb], [rows, offv + f])
            return carry

        lax.fori_loop(0, SUB // 16, grp, 0)

    def wb_start(l, h):
        pltpu.async_copy(
            tb[h], out_hbm.at[l, :, pl.ds(bbase + h * SUB, SUB)], wsem[h]
        )

    def wb_wait(pb):
        pltpu.make_async_copy(
            tb[pb], out_hbm.at[0, :, pl.ds(bbase, SUB)], wsem[pb]
        ).wait()

    prep(0, 0, 0)
    g_start(0)

    def lbody(l, carry):
        prep(l, 1, 1)
        g_start(1)
        g_wait(0)

        @pl.when(l > 0)
        def _():
            wb_wait(0)

        extract(0)
        wb_start(l, 0)

        @pl.when(l + 1 < L)
        def _():
            prep(l + 1, 0, 0)
            g_start(0)

        g_wait(1)

        @pl.when(l > 0)
        def _():
            wb_wait(1)

        extract(1)
        wb_start(l, 1)
        return carry

    lax.fori_loop(0, L, lbody, 0)
    wb_wait(0)
    wb_wait(1)


@jax.jit
def _lookup(xt, embp):
    mesh = plsc.VectorSubcoreMesh(core_axis_name="c", subcore_axis_name="s")
    return pl.kernel(
        _body,
        mesh=mesh,
        compiler_params=pltpu.CompilerParams(needs_layout_passes=False),
        out_type=jax.ShapeDtypeStruct((L, DIM, B), jnp.float32),
        scratch_types=(
            [pltpu.VMEM((L, B_PER_W), jnp.int32)]
            + [pltpu.VMEM((SUB,), jnp.int32) for _ in range(4)]
            + [pltpu.VMEM((SUB, 128), jnp.float32) for _ in range(2)]
            + [pltpu.VMEM((DIM, SUB), jnp.float32) for _ in range(2)]
            + [pltpu.SemaphoreType.DMA for _ in range(4)]
        ),
    )(xt, embp)


def kernel(x, emb):
    outt = _lookup(x.T, emb.reshape(PROWS, PACK * DIM))
    return jnp.transpose(outt, (2, 0, 1))

# --- scband reference (transcript-rebuilt; emitter-appended) ---
"""Pipeline reference for scband-token-emb-34419867910245 (READ-ONLY COPY).

The authoritative reference and input builder live on the scoring server;
editing this copy changes nothing except your own understanding.
"""

import jax, jax.numpy as jnp
import numpy as np

VOCAB = 1000000
DIM = 32
B = 16384
L = 50

def setup_inputs(seed: int = 0) -> dict:
    key = jax.random.key(seed)
    k1, k2 = jax.random.split(key)
    x = jax.random.randint(k1, (B, L), 0, VOCAB, dtype=jnp.int64 if jax.config.jax_enable_x64 else jnp.int32)
    emb = jax.random.normal(k2, (VOCAB, DIM), dtype=jnp.float32)
    return {"x": x, "emb": emb}

def reference(x, emb):
    # TokenEmb with factorized=False: plain embedding lookup emb(x)
    out = jnp.take(emb, x, axis=0)
    return out

if __name__ == "__main__":
    import jax
    _d = setup_inputs()
    print(jax.jit(kernel)(*tuple(_d.values())))

</pallas_src>

<mosaic_0001>
#map = affine_map<(d0, d1) -> (0, 0)>
#map1 = affine_map<(d0, d1) -> (0, 0, 0)>
module attributes {stable_mosaic.version = 14 : i64} {
  func.func @_body(%arg0: i32, %arg1: i32, %arg2: memref<50x16384xi32, #tpu.memory_space<hbm>>, %arg3: memref<250000x128xf32, #tpu.memory_space<hbm>>, %arg4: memref<50x32x16384xf32, #tpu.memory_space<hbm>>, %arg5: memref<50x512xi32, #tpu.memory_space<vmem>>, %arg6: memref<256xi32, #tpu.memory_space<vmem>>, %arg7: memref<256xi32, #tpu.memory_space<vmem>>, %arg8: memref<256xi32, #tpu.memory_space<vmem>>, %arg9: memref<256xi32, #tpu.memory_space<vmem>>, %arg10: memref<256x128xf32, #tpu.memory_space<vmem>>, %arg11: memref<256x128xf32, #tpu.memory_space<vmem>>, %arg12: memref<32x256xf32, #tpu.memory_space<vmem>>, %arg13: memref<32x256xf32, #tpu.memory_space<vmem>>, %arg14: memref<!tpu.dma_semaphore, #tpu.memory_space<semaphore_mem>>, %arg15: memref<!tpu.dma_semaphore, #tpu.memory_space<semaphore_mem>>, %arg16: memref<!tpu.dma_semaphore, #tpu.memory_space<semaphore_mem>>, %arg17: memref<!tpu.dma_semaphore, #tpu.memory_space<semaphore_mem>>) attributes {dimension_semantics = [#tpu.dimension_semantics<core_parallel>, #tpu.dimension_semantics<subcore_parallel>], iteration_bounds = array<i64: 2, 16>, scalar_prefetch = 0 : i64, scratch_operands = 13 : i64, tpu.core_type = #tpu.core_type<sc_vector_subcore>, window_params = [{transform_indices = #map}, {transform_indices = #map}, {transform_indices = #map1}]} {
    %mul3A = arith.constant 2 : i32
    %mul3A_0 = arith.muli %arg1, %mul3A : i32
    %add3A = arith.addi %mul3A_0, %arg0 : i32
    %mul3A_1 = arith.constant 512 : i32
    %mul3A_2 = arith.muli %add3A, %mul3A_1 : i32
    %iota3A = tpu.iota {dimensions = array<i32: 0>} : vector<16xi32>
    "tpu.region"() ({
      %run_scoped3A = tpu.sem_alloc : memref<!tpu.dma_semaphore, #tpu.memory_space<semaphore_mem>>
      %dma_start3A_29 = arith.constant 0 : i32
      %dma_start3A_30 = tpu.memref_slice %arg2[%dma_start3A_29, %mul3A_2] : memref<50x16384xi32, #tpu.memory_space<hbm>> -> memref<50x512xi32, #tpu.memory_space<hbm>>
      %dma_start3A_31 = arith.constant 0 : i32
      %dma_start3A_32 = tpu.memref_slice %arg2[%dma_start3A_31, %mul3A_2] : memref<50x16384xi32, #tpu.memory_space<hbm>> -> memref<50x512xi32, #tpu.memory_space<hbm>>
      tpu.enqueue_dma source(%dma_start3A_32 : memref<50x512xi32, #tpu.memory_space<hbm>>) target(%arg5 : memref<50x512xi32, #tpu.memory_space<vmem>>) target_semaphore(%run_scoped3A : memref<!tpu.dma_semaphore, #tpu.memory_space<semaphore_mem>>)
      %dma_wait3A_33 = arith.constant 0 : i32
      %dma_wait3A_34 = tpu.memref_slice %arg2[%dma_wait3A_33, %mul3A_2] : memref<50x16384xi32, #tpu.memory_space<hbm>> -> memref<50x512xi32, #tpu.memory_space<hbm>>
      %dma_wait3A_35 = arith.constant 0 : i32
      %dma_wait3A_36 = tpu.memref_slice %arg2[%dma_wait3A_35, %mul3A_2] : memref<50x16384xi32, #tpu.memory_space<hbm>> -> memref<50x512xi32, #tpu.memory_space<hbm>>
      tpu.wait_dma2 semaphore(%run_scoped3A : memref<!tpu.dma_semaphore, #tpu.memory_space<semaphore_mem>>) src(%dma_wait3A_36 : memref<50x512xi32, #tpu.memory_space<hbm>>) dst(%arg5 : memref<50x512xi32, #tpu.memory_space<vmem>>)
      tpu.yield
    }) : () -> ()
    %scan3A = arith.constant 0 : i32
    %scan3A_3 = arith.constant 0 : i32
    %scan3A_4 = arith.constant 16 : i32
    %scan3A_5 = arith.addi %scan3A_3, %scan3A_4 : i32
    %scan3A_6 = arith.constant 1 : i32
    scf.for %scan3A_29 = %scan3A_3 to %scan3A_5 step %scan3A_6  : i32 {
      %mul3A_30 = arith.constant 16 : i32
      %mul3A_31 = arith.muli %scan3A_29, %mul3A_30 : i32
      %multiple_of3A = tpu.assume_multiple %mul3A_31, 8 : i32
      %mul3A_32 = arith.constant 16 : i32
      %mul3A_33 = arith.muli %scan3A_29, %mul3A_32 : i32
      %add3A_34 = arith.constant 0 : i32
      %add3A_35 = arith.addi %add3A_34, %mul3A_33 : i32
      %multiple_of3A_36 = tpu.assume_multiple %add3A_35, 8 : i32
      %get3A = arith.constant 0 : i32
      %get3A_37 = arith.index_cast %get3A : i32 to index
      %get3A_38 = arith.index_cast %multiple_of3A_36 : i32 to index
      %get3A_39 = tpu.vector_load %arg5[%get3A_37, %get3A_38] {strides = array<i32>} : memref<50x512xi32, #tpu.memory_space<vmem>>, vector<16xi32>,
      %shift_right_logical3A = arith.constant 2 : i32
      %shift_right_logical3A_40 = vector.broadcast %shift_right_logical3A : i32 to vector<16xi32>
      %shift_right_logical3A_41 = arith.shrui %get3A_39, %shift_right_logical3A_40 : vector<16xi32>
      %swap3A = arith.index_cast %multiple_of3A : i32 to index
      %swap3A_42 = tpu.vector_load %arg6[%swap3A] {strides = array<i32>} : memref<256xi32, #tpu.memory_space<vmem>>, vector<16xi32>,
      tpu.vector_store %arg6[%swap3A], %shift_right_logical3A_41 {strides = array<i32>} : memref<256xi32, #tpu.memory_space<vmem>>, vector<16xi32>,
      %and3A = arith.constant 3 : i32
      %and3A_43 = vector.broadcast %and3A : i32 to vector<16xi32>
      %and3A_44 = arith.andi %get3A_39, %and3A_43 : vector<16xi32>
      %shift_left3A = arith.constant 5 : i32
      %shift_left3A_45 = vector.broadcast %shift_left3A : i32 to vector<16xi32>
      %shift_left3A_46 = arith.shli %and3A_44, %shift_left3A_45 : vector<16xi32>
      %swap3A_47 = arith.index_cast %multiple_of3A : i32 to index
      %swap3A_48 = tpu.vector_load %arg8[%swap3A_47] {strides = array<i32>} : memref<256xi32, #tpu.memory_space<vmem>>, vector<16xi32>,
      tpu.vector_store %arg8[%swap3A_47], %shift_left3A_46 {strides = array<i32>} : memref<256xi32, #tpu.memory_space<vmem>>, vector<16xi32>,
    }
    %scan3A_7 = arith.constant 16 : i32
    %dma_start3A = arith.constant 0 : i32
    %dma_start3A_8 = arith.constant 0 : i32
    %dma_start3A_9 = tpu.memref_slice %arg3[%dma_start3A, %dma_start3A_8] : memref<250000x128xf32, #tpu.memory_space<hbm>> -> memref<250000x128xf32, #tpu.memory_space<hbm>>
    tpu.enqueue_indirect_dma source(%dma_start3A_9 : memref<250000x128xf32, #tpu.memory_space<hbm>>) target(%arg10 : memref<256x128xf32, #tpu.memory_space<vmem>>) offsets(%arg6 : memref<256xi32, #tpu.memory_space<vmem>>) semaphore(%arg14 : memref<!tpu.dma_semaphore, #tpu.memory_space<semaphore_mem>>)
    %scan3A_10 = arith.constant 0 : i32
    %scan3A_11 = arith.constant 0 : i32
    %scan3A_12 = arith.constant 50 : i32
    %scan3A_13 = arith.addi %scan3A_11, %scan3A_12 : i32
    %scan3A_14 = arith.constant 1 : i32
    scf.for %scan3A_29 = %scan3A_11 to %scan3A_13 step %scan3A_14  : i32 {
      %scan3A_30 = arith.constant 0 : i32
      %scan3A_31 = arith.constant 0 : i32
      %scan3A_32 = arith.constant 16 : i32
      %scan3A_33 = arith.addi %scan3A_31, %scan3A_32 : i32
      %scan3A_34 = arith.constant 1 : i32
      scf.for %scan3A_86 = %scan3A_31 to %scan3A_33 step %scan3A_34  : i32 {
        %mul3A_87 = arith.constant 16 : i32
        %mul3A_88 = arith.muli %scan3A_86, %mul3A_87 : i32
        %multiple_of3A = tpu.assume_multiple %mul3A_88, 8 : i32
        %mul3A_89 = arith.constant 16 : i32
        %mul3A_90 = arith.muli %scan3A_86, %mul3A_89 : i32
        %add3A_91 = arith.constant 256 : i32
        %add3A_92 = arith.addi %add3A_91, %mul3A_90 : i32
        %multiple_of3A_93 = tpu.assume_multiple %add3A_92, 8 : i32
        %get3A = arith.index_cast %scan3A_29 : i32 to index
        %get3A_94 = arith.index_cast %multiple_of3A_93 : i32 to index
        %get3A_95 = tpu.vector_load %arg5[%get3A, %get3A_94] {strides = array<i32>} : memref<50x512xi32, #tpu.memory_space<vmem>>, vector<16xi32>,
        %shift_right_logical3A = arith.constant 2 : i32
        %shift_right_logical3A_96 = vector.broadcast %shift_right_logical3A : i32 to vector<16xi32>
        %shift_right_logical3A_97 = arith.shrui %get3A_95, %shift_right_logical3A_96 : vector<16xi32>
        %swap3A = arith.index_cast %multiple_of3A : i32 to index
        %swap3A_98 = tpu.vector_load %arg7[%swap3A] {strides = array<i32>} : memref<256xi32, #tpu.memory_space<vmem>>, vector<16xi32>,
        tpu.vector_store %arg7[%swap3A], %shift_right_logical3A_97 {strides = array<i32>} : memref<256xi32, #tpu.memory_space<vmem>>, vector<16xi32>,
        %and3A = arith.constant 3 : i32
        %and3A_99 = vector.broadcast %and3A : i32 to vector<16xi32>
        %and3A_100 = arith.andi %get3A_95, %and3A_99 : vector<16xi32>
        %shift_left3A = arith.constant 5 : i32
        %shift_left3A_101 = vector.broadcast %shift_left3A : i32 to vector<16xi32>
        %shift_left3A_102 = arith.shli %and3A_100, %shift_left3A_101 : vector<16xi32>
        %swap3A_103 = arith.index_cast %multiple_of3A : i32 to index
        %swap3A_104 = tpu.vector_load %arg9[%swap3A_103] {strides = array<i32>} : memref<256xi32, #tpu.memory_space<vmem>>, vector<16xi32>,
        tpu.vector_store %arg9[%swap3A_103], %shift_left3A_102 {strides = array<i32>} : memref<256xi32, #tpu.memory_space<vmem>>, vector<16xi32>,
      }
      %scan3A_35 = arith.constant 16 : i32
      %dma_start3A_36 = arith.constant 0 : i32
      %dma_start3A_37 = arith.constant 0 : i32
      %dma_start3A_38 = tpu.memref_slice %arg3[%dma_start3A_36, %dma_start3A_37] : memref<250000x128xf32, #tpu.memory_space<hbm>> -> memref<250000x128xf32, #tpu.memory_space<hbm>>
      tpu.enqueue_indirect_dma source(%dma_start3A_38 : memref<250000x128xf32, #tpu.memory_space<hbm>>) target(%arg11 : memref<256x128xf32, #tpu.memory_space<vmem>>) offsets(%arg7 : memref<256xi32, #tpu.memory_space<vmem>>) semaphore(%arg15 : memref<!tpu.dma_semaphore, #tpu.memory_space<semaphore_mem>>)
      %dma_wait3A_39 = arith.constant 0 : i32
      %dma_wait3A_40 = arith.constant 0 : i32
      %dma_wait3A_41 = tpu.memref_slice %arg3[%dma_wait3A_39, %dma_wait3A_40] : memref<250000x128xf32, #tpu.memory_space<hbm>> -> memref<250000x128xf32, #tpu.memory_space<hbm>>
      tpu.wait_indirect_dma semaphore(%arg14 : memref<!tpu.dma_semaphore, #tpu.memory_space<semaphore_mem>>) src(%dma_wait3A_41 : memref<250000x128xf32, #tpu.memory_space<hbm>>) dst(%arg10 : memref<256x128xf32, #tpu.memory_space<vmem>>)
      %gt3A = arith.constant 0 : i32
      %gt3A_42 = arith.cmpi sgt, %scan3A_29, %gt3A : i32
      %convert_element_type3A = arith.extui %gt3A_42 : i1 to i32
      %cond3A = arith.constant 0 : i32
      %cond3A_43 = arith.cmpi ne, %convert_element_type3A, %cond3A : i32
      scf.if %cond3A_43 {
        %dma_wait3A_86 = arith.constant 0 : i32
        %dma_wait3A_87 = arith.constant 0 : i32
        %dma_wait3A_88 = tpu.memref_slice %arg4[%dma_wait3A_86, %dma_wait3A_87, %mul3A_2] : memref<50x32x16384xf32, #tpu.memory_space<hbm>> -> memref<1x32x256xf32, #tpu.memory_space<hbm>>
        %dma_wait3A_89 = tpu.memref_squeeze %dma_wait3A_88 : memref<1x32x256xf32, #tpu.memory_space<hbm>> -> memref<32x256xf32, #tpu.memory_space<hbm>>
        %dma_wait3A_90 = arith.constant 0 : i32
        %dma_wait3A_91 = tpu.memref_slice %arg4[%dma_wait3A_86, %dma_wait3A_90, %mul3A_2] : memref<50x32x16384xf32, #tpu.memory_space<hbm>> -> memref<1x32x256xf32, #tpu.memory_space<hbm>>
        %dma_wait3A_92 = tpu.memref_squeeze %dma_wait3A_91 : memref<1x32x256xf32, #tpu.memory_space<hbm>> -> memref<32x256xf32, #tpu.memory_space<hbm>>
        tpu.wait_dma2 semaphore(%arg16 : memref<!tpu.dma_semaphore, #tpu.memory_space<semaphore_mem>>) src(%arg12 : memref<32x256xf32, #tpu.memory_space<vmem>>) dst(%dma_wait3A_92 : memref<32x256xf32, #tpu.memory_space<hbm>>)
      } else {
      }
      %scan3A_44 = arith.constant 0 : i32
      %scan3A_45 = arith.constant 0 : i32
      %scan3A_46 = arith.constant 16 : i32
      %scan3A_47 = arith.addi %scan3A_45, %scan3A_46 : i32
      %scan3A_48 = arith.constant 1 : i32
      scf.for %scan3A_86 = %scan3A_45 to %scan3A_47 step %scan3A_48  : i32 {
        %mul3A_87 = arith.constant 16 : i32
        %mul3A_88 = arith.muli %scan3A_86, %mul3A_87 : i32
        %multiple_of3A = tpu.assume_multiple %mul3A_88, 8 : i32
        %mul3A_89 = arith.constant 16 : i32
        %mul3A_90 = arith.muli %scan3A_86, %mul3A_89 : i32
        %add3A_91 = vector.broadcast %mul3A_90 : i32 to vector<16xi32>
        %add3A_92 = arith.addi %add3A_91, %iota3A : vector<16xi32>
        %get3A = arith.index_cast %multiple_of3A : i32 to index
        %get3A_93 = tpu.vector_load %arg8[%get3A] {strides = array<i32>} : memref<256xi32, #tpu.memory_space<vmem>>, vector<16xi32>,
        %add3A_94 = arith.constant 0 : i32
        %add3A_95 = vector.broadcast %add3A_94 : i32 to vector<16xi32>
        %add3A_96 = arith.addi %get3A_93, %add3A_95 : vector<16xi32>
        %gather3A = tpu.vector_load_idx %arg10[%add3A_92, %add3A_96] : memref<256x128xf32, #tpu.memory_space<vmem>>[vector<16xi32>, vector<16xi32>], vector<16xf32>,
        %swap3A = arith.constant 0 : i32
        %swap3A_97 = arith.index_cast %swap3A : i32 to index
        %swap3A_98 = arith.index_cast %multiple_of3A : i32 to index
        %swap3A_99 = tpu.vector_load %arg12[%swap3A_97, %swap3A_98] {strides = array<i32>} : memref<32x256xf32, #tpu.memory_space<vmem>>, vector<16xf32>,
        tpu.vector_store %arg12[%swap3A_97, %swap3A_98], %gather3A {strides = array<i32>} : memref<32x256xf32, #tpu.memory_space<vmem>>, vector<16xf32>,
        %add3A_100 = arith.constant 1 : i32
        %add3A_101 = vector.broadcast %add3A_100 : i32 to vector<16xi32>
        %add3A_102 = arith.addi %get3A_93, %add3A_101 : vector<16xi32>
        %gather3A_103 = tpu.vector_load_idx %arg10[%add3A_92, %add3A_102] : memref<256x128xf32, #tpu.memory_space<vmem>>[vector<16xi32>, vector<16xi32>], vector<16xf32>,
        %swap3A_104 = arith.constant 1 : i32
        %swap3A_105 = arith.index_cast %swap3A_104 : i32 to index
        %swap3A_106 = arith.index_cast %multiple_of3A : i32 to index
        %swap3A_107 = tpu.vector_load %arg12[%swap3A_105, %swap3A_106] {strides = array<i32>} : memref<32x256xf32, #tpu.memory_space<vmem>>, vector<16xf32>,
        tpu.vector_store %arg12[%swap3A_105, %swap3A_106], %gather3A_103 {strides = array<i32>} : memref<32x256xf32, #tpu.memory_space<vmem>>, vector<16xf32>,
        %add3A_108 = arith.constant 2 : i32
        %add3A_109 = vector.broadcast %add3A_108 : i32 to vector<16xi32>
        %add3A_110 = arith.addi %get3A_93, %add3A_109 : vector<16xi32>
        %gather3A_111 = tpu.vector_load_idx %arg10[%add3A_92, %add3A_110] : memref<256x128xf32, #tpu.memory_space<vmem>>[vector<16xi32>, vector<16xi32>], vector<16xf32>,
        %swap3A_112 = arith.constant 2 : i32
        %swap3A_113 = arith.index_cast %swap3A_112 : i32 to index
        %swap3A_114 = arith.index_cast %multiple_of3A : i32 to index
        %swap3A_115 = tpu.vector_load %arg12[%swap3A_113, %swap3A_114] {strides = array<i32>} : memref<32x256xf32, #tpu.memory_space<vmem>>, vector<16xf32>,
        tpu.vector_store %arg12[%swap3A_113, %swap3A_114], %gather3A_111 {strides = array<i32>} : memref<32x256xf32, #tpu.memory_space<vmem>>, vector<16xf32>,
        %add3A_116 = arith.constant 3 : i32
        %add3A_117 = vector.broadcast %add3A_116 : i32 to vector<16xi32>
        %add3A_118 = arith.addi %get3A_93, %add3A_117 : vector<16xi32>
        %gather3A_119 = tpu.vector_load_idx %arg10[%add3A_92, %add3A_118] : memref<256x128xf32, #tpu.memory_space<vmem>>[vector<16xi32>, vector<16xi32>], vector<16xf32>,
        %swap3A_120 = arith.constant 3 : i32
        %swap3A_121 = arith.index_cast %swap3A_120 : i32 to index
        %swap3A_122 = arith.index_cast %multiple_of3A : i32 to index
        %swap3A_123 = tpu.vector_load %arg12[%swap3A_121, %swap3A_122] {strides = array<i32>} : memref<32x256xf32, #tpu.memory_space<vmem>>, vector<16xf32>,
        tpu.vector_store %arg12[%swap3A_121, %swap3A_122], %gather3A_119 {strides = array<i32>} : memref<32x256xf32, #tpu.memory_space<vmem>>, vector<16xf32>,
        %add3A_124 = arith.constant 4 : i32
        %add3A_125 = vector.broadcast %add3A_124 : i32 to vector<16xi32>
        %add3A_126 = arith.addi %get3A_93, %add3A_125 : vector<16xi32>
        %gather3A_127 = tpu.vector_load_idx %arg10[%add3A_92, %add3A_126] : memref<256x128xf32, #tpu.memory_space<vmem>>[vector<16xi32>, vector<16xi32>], vector<16xf32>,
        %swap3A_128 = arith.constant 4 : i32
        %swap3A_129 = arith.index_cast %swap3A_128 : i32 to index
        %swap3A_130 = arith.index_cast %multiple_of3A : i32 to index
        %swap3A_131 = tpu.vector_load %arg12[%swap3A_129, %swap3A_130] {strides = array<i32>} : memref<32x256xf32, #tpu.memory_space<vmem>>, vector<16xf32>,
        tpu.vector_store %arg12[%swap3A_129, %swap3A_130], %gather3A_127 {strides = array<i32>} : memref<32x256xf32, #tpu.memory_space<vmem>>, vector<16xf32>,
        %add3A_132 = arith.constant 5 : i32
        %add3A_133 = vector.broadcast %add3A_132 : i32 to vector<16xi32>
        %add3A_134 = arith.addi %get3A_93, %add3A_133 : vector<16xi32>
        %gather3A_135 = tpu.vector_load_idx %arg10[%add3A_92, %add3A_134] : memref<256x128xf32, #tpu.memory_space<vmem>>[vector<16xi32>, vector<16xi32>], vector<16xf32>,
        %swap3A_136 = arith.constant 5 : i32
        %swap3A_137 = arith.index_cast %swap3A_136 : i32 to index
        %swap3A_138 = arith.index_cast %multiple_of3A : i32 to index
        %swap3A_139 = tpu.vector_load %arg12[%swap3A_137, %swap3A_138] {strides = array<i32>} : memref<32x256xf32, #tpu.memory_space<vmem>>, vector<16xf32>,
        tpu.vector_store %arg12[%swap3A_137, %swap3A_138], %gather3A_135 {strides = array<i32>} : memref<32x256xf32, #tpu.memory_space<vmem>>, vector<16xf32>,
        %add3A_140 = arith.constant 6 : i32
        %add3A_141 = vector.broadcast %add3A_140 : i32 to vector<16xi32>
        %add3A_142 = arith.addi %get3A_93, %add3A_141 : vector<16xi32>
        %gather3A_143 = tpu.vector_load_idx %arg10[%add3A_92, %add3A_142] : memref<256x128xf32, #tpu.memory_space<vmem>>[vector<16xi32>, vector<16xi32>], vector<16xf32>,
        %swap3A_144 = arith.constant 6 : i32
        %swap3A_145 = arith.index_cast %swap3A_144 : i32 to index
        %swap3A_146 = arith.index_cast %multiple_of3A : i32 to index
        %swap3A_147 = tpu.vector_load %arg12[%swap3A_145, %swap3A_146] {strides = array<i32>} : memref<32x256xf32, #tpu.memory_space<vmem>>, vector<16xf32>,
        tpu.vector_store %arg12[%swap3A_145, %swap3A_146], %gather3A_143 {strides = array<i32>} : memref<32x256xf32, #tpu.memory_space<vmem>>, vector<16xf32>,
        %add3A_148 = arith.constant 7 : i32
        %add3A_149 = vector.broadcast %add3A_148 : i32 to vector<16xi32>
        %add3A_150 = arith.addi %get3A_93, %add3A_149 : vector<16xi32>
        %gather3A_151 = tpu.vector_load_idx %arg10[%add3A_92, %add3A_150] : memref<256x128xf32, #tpu.memory_space<vmem>>[vector<16xi32>, vector<16xi32>], vector<16xf32>,
        %swap3A_152 = arith.constant 7 : i32
        %swap3A_153 = arith.index_cast %swap3A_152 : i32 to index
        %swap3A_154 = arith.index_cast %multiple_of3A : i32 to index
        %swap3A_155 = tpu.vector_load %arg12[%swap3A_153, %swap3A_154] {strides = array<i32>} : memref<32x256xf32, #tpu.memory_space<vmem>>, vector<16xf32>,
        tpu.vector_store %arg12[%swap3A_153, %swap3A_154], %gather3A_151 {strides = array<i32>} : memref<32x256xf32, #tpu.memory_space<vmem>>, vector<16xf32>,
        %add3A_156 = arith.constant 8 : i32
        %add3A_157 = vector.broadcast %add3A_156 : i32 to vector<16xi32>
        %add3A_158 = arith.addi %get3A_93, %add3A_157 : vector<16xi32>
        %gather3A_159 = tpu.vector_load_idx %arg10[%add3A_92, %add3A_158] : memref<256x128xf32, #tpu.memory_space<vmem>>[vector<16xi32>, vector<16xi32>], vector<16xf32>,
        %swap3A_160 = arith.constant 8 : i32
        %swap3A_161 = arith.index_cast %swap3A_160 : i32 to index
        %swap3A_162 = arith.index_cast %multiple_of3A : i32 to index
        %swap3A_163 = tpu.vector_load %arg12[%swap3A_161, %swap3A_162] {strides = array<i32>} : memref<32x256xf32, #tpu.memory_space<vmem>>, vector<16xf32>,
        tpu.vector_store %arg12[%swap3A_161, %swap3A_162], %gather3A_159 {strides = array<i32>} : memref<32x256xf32, #tpu.memory_space<vmem>>, vector<16xf32>,
        %add3A_164 = arith.constant 9 : i32
        %add3A_165 = vector.broadcast %add3A_164 : i32 to vector<16xi32>
        %add3A_166 = arith.addi %get3A_93, %add3A_165 : vector<16xi32>
        %gather3A_167 = tpu.vector_load_idx %arg10[%add3A_92, %add3A_166] : memref<256x128xf32, #tpu.memory_space<vmem>>[vector<16xi32>, vector<16xi32>], vector<16xf32>,
        %swap3A_168 = arith.constant 9 : i32
        %swap3A_169 = arith.index_cast %swap3A_168 : i32 to index
        %swap3A_170 = arith.index_cast %multiple_of3A : i32 to index
        %swap3A_171 = tpu.vector_load %arg12[%swap3A_169, %swap3A_170] {strides = array<i32>} : memref<32x256xf32, #tpu.memory_space<vmem>>, vector<16xf32>,
        tpu.vector_store %arg12[%swap3A_169, %swap3A_170], %gather3A_167 {strides = array<i32>} : memref<32x256xf32, #tpu.memory_space<vmem>>, vector<16xf32>,
        %add3A_172 = arith.constant 10 : i32
        %add3A_173 = vector.broadcast %add3A_172 : i32 to vector<16xi32>
        %add3A_174 = arith.addi %get3A_93, %add3A_173 : vector<16xi32>
        %gather3A_175 = tpu.vector_load_idx %arg10[%add3A_92, %add3A_174] : memref<256x128xf32, #tpu.memory_space<vmem>>[vector<16xi32>, vector<16xi32>], vector<16xf32>,
        %swap3A_176 = arith.constant 10 : i32
        %swap3A_177 = arith.index_cast %swap3A_176 : i32 to index
        %swap3A_178 = arith.index_cast %multiple_of3A : i32 to index
        %swap3A_179 = tpu.vector_load %arg12[%swap3A_177, %swap3A_178] {strides = array<i32>} : memref<32x256xf32, #tpu.memory_space<vmem>>, vector<16xf32>,
        tpu.vector_store %arg12[%swap3A_177, %swap3A_178], %gather3A_175 {strides = array<i32>} : memref<32x256xf32, #tpu.memory_space<vmem>>, vector<16xf32>,
        %add3A_180 = arith.constant 11 : i32
        %add3A_181 = vector.broadcast %add3A_180 : i32 to vector<16xi32>
        %add3A_182 = arith.addi %get3A_93, %add3A_181 : vector<16xi32>
        %gather3A_183 = tpu.vector_load_idx %arg10[%add3A_92, %add3A_182] : memref<256x128xf32, #tpu.memory_space<vmem>>[vector<16xi32>, vector<16xi32>], vector<16xf32>,
        %swap3A_184 = arith.constant 11 : i32
        %swap3A_185 = arith.index_cast %swap3A_184 : i32 to index
        %swap3A_186 = arith.index_cast %multiple_of3A : i32 to index
        %swap3A_187 = tpu.vector_load %arg12[%swap3A_185, %swap3A_186] {strides = array<i32>} : memref<32x256xf32, #tpu.memory_space<vmem>>, vector<16xf32>,
        tpu.vector_store %arg12[%swap3A_185, %swap3A_186], %gather3A_183 {strides = array<i32>} : memref<32x256xf32, #tpu.memory_space<vmem>>, vector<16xf32>,
        %add3A_188 = arith.constant 12 : i32
        %add3A_189 = vector.broadcast %add3A_188 : i32 to vector<16xi32>
        %add3A_190 = arith.addi %get3A_93, %add3A_189 : vector<16xi32>
        %gather3A_191 = tpu.vector_load_idx %arg10[%add3A_92, %add3A_190] : memref<256x128xf32, #tpu.memory_space<vmem>>[vector<16xi32>, vector<16xi32>], vector<16xf32>,
        %swap3A_192 = arith.constant 12 : i32
        %swap3A_193 = arith.index_cast %swap3A_192 : i32 to index
        %swap3A_194 = arith.index_cast %multiple_of3A : i32 to index
        %swap3A_195 = tpu.vector_load %arg12[%swap3A_193, %swap3A_194] {strides = array<i32>} : memref<32x256xf32, #tpu.memory_space<vmem>>, vector<16xf32>,
        tpu.vector_store %arg12[%swap3A_193, %swap3A_194], %gather3A_191 {strides = array<i32>} : memref<32x256xf32, #tpu.memory_space<vmem>>, vector<16xf32>,
        %add3A_196 = arith.constant 13 : i32
        %add3A_197 = vector.broadcast %add3A_196 : i32 to vector<16xi32>
        %add3A_198 = arith.addi %get3A_93, %add3A_197 : vector<16xi32>
        %gather3A_199 = tpu.vector_load_idx %arg10[%add3A_92, %add3A_198] : memref<256x128xf32, #tpu.memory_space<vmem>>[vector<16xi32>, vector<16xi32>], vector<16xf32>,
        %swap3A_200 = arith.constant 13 : i32
        %swap3A_201 = arith.index_cast %swap3A_200 : i32 to index
        %swap3A_202 = arith.index_cast %multiple_of3A : i32 to index
        %swap3A_203 = tpu.vector_load %arg12[%swap3A_201, %swap3A_202] {strides = array<i32>} : memref<32x256xf32, #tpu.memory_space<vmem>>, vector<16xf32>,
        tpu.vector_store %arg12[%swap3A_201, %swap3A_202], %gather3A_199 {strides = array<i32>} : memref<32x256xf32, #tpu.memory_space<vmem>>, vector<16xf32>,
        %add3A_204 = arith.constant 14 : i32
        %add3A_205 = vector.broadcast %add3A_204 : i32 to vector<16xi32>
        %add3A_206 = arith.addi %get3A_93, %add3A_205 : vector<16xi32>
        %gather3A_207 = tpu.vector_load_idx %arg10[%add3A_92, %add3A_206] : memref<256x128xf32, #tpu.memory_space<vmem>>[vector<16xi32>, vector<16xi32>], vector<16xf32>,
        %swap3A_208 = arith.constant 14 : i32
        %swap3A_209 = arith.index_cast %swap3A_208 : i32 to index
        %swap3A_210 = arith.index_cast %multiple_of3A : i32 to index
        %swap3A_211 = tpu.vector_load %arg12[%swap3A_209, %swap3A_210] {strides = array<i32>} : memref<32x256xf32, #tpu.memory_space<vmem>>, vector<16xf32>,
        tpu.vector_store %arg12[%swap3A_209, %swap3A_210], %gather3A_207 {strides = array<i32>} : memref<32x256xf32, #tpu.memory_space<vmem>>, vector<16xf32>,
        %add3A_212 = arith.constant 15 : i32
        %add3A_213 = vector.broadcast %add3A_212 : i32 to vector<16xi32>
        %add3A_214 = arith.addi %get3A_93, %add3A_213 : vector<16xi32>
        %gather3A_215 = tpu.vector_load_idx %arg10[%add3A_92, %add3A_214] : memref<256x128xf32, #tpu.memory_space<vmem>>[vector<16xi32>, vector<16xi32>], vector<16xf32>,
        %swap3A_216 = arith.constant 15 : i32
        %swap3A_217 = arith.index_cast %swap3A_216 : i32 to index
        %swap3A_218 = arith.index_cast %multiple_of3A : i32 to index
        %swap3A_219 = tpu.vector_load %arg12[%swap3A_217, %swap3A_218] {strides = array<i32>} : memref<32x256xf32, #tpu.memory_space<vmem>>, vector<16xf32>,
        tpu.vector_store %arg12[%swap3A_217, %swap3A_218], %gather3A_215 {strides = array<i32>} : memref<32x256xf32, #tpu.memory_space<vmem>>, vector<16xf32>,
        %add3A_220 = arith.constant 16 : i32
        %add3A_221 = vector.broadcast %add3A_220 : i32 to vector<16xi32>
        %add3A_222 = arith.addi %get3A_93, %add3A_221 : vector<16xi32>
        %gather3A_223 = tpu.vector_load_idx %arg10[%add3A_92, %add3A_222] : memref<256x128xf32, #tpu.memory_space<vmem>>[vector<16xi32>, vector<16xi32>], vector<16xf32>,
        %swap3A_224 = arith.constant 16 : i32
        %swap3A_225 = arith.index_cast %swap3A_224 : i32 to index
        %swap3A_226 = arith.index_cast %multiple_of3A : i32 to index
        %swap3A_227 = tpu.vector_load %arg12[%swap3A_225, %swap3A_226] {strides = array<i32>} : memref<32x256xf32, #tpu.memory_space<vmem>>, vector<16xf32>,
        tpu.vector_store %arg12[%swap3A_225, %swap3A_226], %gather3A_223 {strides = array<i32>} : memref<32x256xf32, #tpu.memory_space<vmem>>, vector<16xf32>,
        %add3A_228 = arith.constant 17 : i32
        %add3A_229 = vector.broadcast %add3A_228 : i32 to vector<16xi32>
        %add3A_230 = arith.addi %get3A_93, %add3A_229 : vector<16xi32>
        %gather3A_231 = tpu.vector_load_idx %arg10[%add3A_92, %add3A_230] : memref<256x128xf32, #tpu.memory_space<vmem>>[vector<16xi32>, vector<16xi32>], vector<16xf32>,
        %swap3A_232 = arith.constant 17 : i32
        %swap3A_233 = arith.index_cast %swap3A_232 : i32 to index
        %swap3A_234 = arith.index_cast %multiple_of3A : i32 to index
        %swap3A_235 = tpu.vector_load %arg12[%swap3A_233, %swap3A_234] {strides = array<i32>} : memref<32x256xf32, #tpu.memory_space<vmem>>, vector<16xf32>,
        tpu.vector_store %arg12[%swap3A_233, %swap3A_234], %gather3A_231 {strides = array<i32>} : memref<32x256xf32, #tpu.memory_space<vmem>>, vector<16xf32>,
        %add3A_236 = arith.constant 18 : i32
        %add3A_237 = vector.broadcast %add3A_236 : i32 to vector<16xi32>
        %add3A_238 = arith.addi %get3A_93, %add3A_237 : vector<16xi32>
        %gather3A_239 = tpu.vector_load_idx %arg10[%add3A_92, %add3A_238] : memref<256x128xf32, #tpu.memory_space<vmem>>[vector<16xi32>, vector<16xi32>], vector<16xf32>,
        %swap3A_240 = arith.constant 18 : i32
        %swap3A_241 = arith.index_cast %swap3A_240 : i32 to index
        %swap3A_242 = arith.index_cast %multiple_of3A : i32 to index
        %swap3A_243 = tpu.vector_load %arg12[%swap3A_241, %swap3A_242] {strides = array<i32>} : memref<32x256xf32, #tpu.memory_space<vmem>>, vector<16xf32>,
        tpu.vector_store %arg12[%swap3A_241, %swap3A_242], %gather3A_239 {strides = array<i32>} : memref<32x256xf32, #tpu.memory_space<vmem>>, vector<16xf32>,
        %add3A_244 = arith.constant 19 : i32
        %add3A_245 = vector.broadcast %add3A_244 : i32 to vector<16xi32>
        %add3A_246 = arith.addi %get3A_93, %add3A_245 : vector<16xi32>
        %gather3A_247 = tpu.vector_load_idx %arg10[%add3A_92, %add3A_246] : memref<256x128xf32, #tpu.memory_space<vmem>>[vector<16xi32>, vector<16xi32>], vector<16xf32>,
        %swap3A_248 = arith.constant 19 : i32
        %swap3A_249 = arith.index_cast %swap3A_248 : i32 to index
        %swap3A_250 = arith.index_cast %multiple_of3A : i32 to index
        %swap3A_251 = tpu.vector_load %arg12[%swap3A_249, %swap3A_250] {strides = array<i32>} : memref<32x256xf32, #tpu.memory_space<vmem>>, vector<16xf32>,
        tpu.vector_store %arg12[%swap3A_249, %swap3A_250], %gather3A_247 {strides = array<i32>} : memref<32x256xf32, #tpu.memory_space<vmem>>, vector<16xf32>,
        %add3A_252 = arith.constant 20 : i32
        %add3A_253 = vector.broadcast %add3A_252 : i32 to vector<16xi32>
        %add3A_254 = arith.addi %get3A_93, %add3A_253 : vector<16xi32>
        %gather3A_255 = tpu.vector_load_idx %arg10[%add3A_92, %add3A_254] : memref<256x128xf32, #tpu.memory_space<vmem>>[vector<16xi32>, vector<16xi32>], vector<16xf32>,
        %swap3A_256 = arith.constant 20 : i32
        %swap3A_257 = arith.index_cast %swap3A_256 : i32 to index
        %swap3A_258 = arith.index_cast %multiple_of3A : i32 to index
        %swap3A_259 = tpu.vector_load %arg12[%swap3A_257, %swap3A_258] {strides = array<i32>} : memref<32x256xf32, #tpu.memory_space<vmem>>, vector<16xf32>,
        tpu.vector_store %arg12[%swap3A_257, %swap3A_258], %gather3A_255 {strides = array<i32>} : memref<32x256xf32, #tpu.memory_space<vmem>>, vector<16xf32>,
        %add3A_260 = arith.constant 21 : i32
        %add3A_261 = vector.broadcast %add3A_260 : i32 to vector<16xi32>
        %add3A_262 = arith.addi %get3A_93, %add3A_261 : vector<16xi32>
        %gather3A_263 = tpu.vector_load_idx %arg10[%add3A_92, %add3A_262] : memref<256x128xf32, #tpu.memory_space<vmem>>[vector<16xi32>, vector<16xi32>], vector<16xf32>,
        %swap3A_264 = arith.constant 21 : i32
        %swap3A_265 = arith.index_cast %swap3A_264 : i32 to index
        %swap3A_266 = arith.index_cast %multiple_of3A : i32 to index
        %swap3A_267 = tpu.vector_load %arg12[%swap3A_265, %swap3A_266] {strides = array<i32>} : memref<32x256xf32, #tpu.memory_space<vmem>>, vector<16xf32>,
        tpu.vector_store %arg12[%swap3A_265, %swap3A_266], %gather3A_263 {strides = array<i32>} : memref<32x256xf32, #tpu.memory_space<vmem>>, vector<16xf32>,
        %add3A_268 = arith.constant 22 : i32
        %add3A_269 = vector.broadcast %add3A_268 : i32 to vector<16xi32>
        %add3A_270 = arith.addi %get3A_93, %add3A_269 : vector<16xi32>
        %gather3A_271 = tpu.vector_load_idx %arg10[%add3A_92, %add3A_270] : memref<256x128xf32, #tpu.memory_space<vmem>>[vector<16xi32>, vector<16xi32>], vector<16xf32>,
        %swap3A_272 = arith.constant 22 : i32
        %swap3A_273 = arith.index_cast %swap3A_272 : i32 to index
        %swap3A_274 = arith.index_cast %multiple_of3A : i32 to index
        %swap3A_275 = tpu.vector_load %arg12[%swap3A_273, %swap3A_274] {strides = array<i32>} : memref<32x256xf32, #tpu.memory_space<vmem>>, vector<16xf32>,
        tpu.vector_store %arg12[%swap3A_273, %swap3A_274], %gather3A_271 {strides = array<i32>} : memref<32x256xf32, #tpu.memory_space<vmem>>, vector<16xf32>,
        %add3A_276 = arith.constant 23 : i32
        %add3A_277 = vector.broadcast %add3A_276 : i32 to vector<16xi32>
        %add3A_278 = arith.addi %get3A_93, %add3A_277 : vector<16xi32>
        %gather3A_279 = tpu.vector_load_idx %arg10[%add3A_92, %add3A_278] : memref<256x128xf32, #tpu.memory_space<vmem>>[vector<16xi32>, vector<16xi32>], vector<16xf32>,
        %swap3A_280 = arith.constant 23 : i32
        %swap3A_281 = arith.index_cast %swap3A_280 : i32 to index
        %swap3A_282 = arith.index_cast %multiple_of3A : i32 to index
        %swap3A_283 = tpu.vector_load %arg12[%swap3A_281, %swap3A_282] {strides = array<i32>} : memref<32x256xf32, #tpu.memory_space<vmem>>, vector<16xf32>,
        tpu.vector_store %arg12[%swap3A_281, %swap3A_282], %gather3A_279 {strides = array<i32>} : memref<32x256xf32, #tpu.memory_space<vmem>>, vector<16xf32>,
        %add3A_284 = arith.constant 24 : i32
        %add3A_285 = vector.broadcast %add3A_284 : i32 to vector<16xi32>
        %add3A_286 = arith.addi %get3A_93, %add3A_285 : vector<16xi32>
        %gather3A_287 = tpu.vector_load_idx %arg10[%add3A_92, %add3A_286] : memref<256x128xf32, #tpu.memory_space<vmem>>[vector<16xi32>, vector<16xi32>], vector<16xf32>,
        %swap3A_288 = arith.constant 24 : i32
        %swap3A_289 = arith.index_cast %swap3A_288 : i32 to index
        %swap3A_290 = arith.index_cast %multiple_of3A : i32 to index
        %swap3A_291 = tpu.vector_load %arg12[%swap3A_289, %swap3A_290] {strides = array<i32>} : memref<32x256xf32, #tpu.memory_space<vmem>>, vector<16xf32>,
        tpu.vector_store %arg12[%swap3A_289, %swap3A_290], %gather3A_287 {strides = array<i32>} : memref<32x256xf32, #tpu.memory_space<vmem>>, vector<16xf32>,
        %add3A_292 = arith.constant 25 : i32
        %add3A_293 = vector.broadcast %add3A_292 : i32 to vector<16xi32>
        %add3A_294 = arith.addi %get3A_93, %add3A_293 : vector<16xi32>
        %gather3A_295 = tpu.vector_load_idx %arg10[%add3A_92, %add3A_294] : memref<256x128xf32, #tpu.memory_space<vmem>>[vector<16xi32>, vector<16xi32>], vector<16xf32>,
        %swap3A_296 = arith.constant 25 : i32
        %swap3A_297 = arith.index_cast %swap3A_296 : i32 to index
        %swap3A_298 = arith.index_cast %multiple_of3A : i32 to index
        %swap3A_299 = tpu.vector_load %arg12[%swap3A_297, %swap3A_298] {strides = array<i32>} : memref<32x256xf32, #tpu.memory_space<vmem>>, vector<16xf32>,
        tpu.vector_store %arg12[%swap3A_297, %swap3A_298], %gather3A_295 {strides = array<i32>} : memref<32x256xf32, #tpu.memory_space<vmem>>, vector<16xf32>,
        %add3A_300 = arith.constant 26 : i32
        %add3A_301 = vector.broadcast %add3A_300 : i32 to vector<16xi32>
        %add3A_302 = arith.addi %get3A_93, %add3A_301 : vector<16xi32>
        %gather3A_303 = tpu.vector_load_idx %arg10[%add3A_92, %add3A_302] : memref<256x128xf32, #tpu.memory_space<vmem>>[vector<16xi32>, vector<16xi32>], vector<16xf32>,
        %swap3A_304 = arith.constant 26 : i32
        %swap3A_305 = arith.index_cast %swap3A_304 : i32 to index
        %swap3A_306 = arith.index_cast %multiple_of3A : i32 to index
        %swap3A_307 = tpu.vector_load %arg12[%swap3A_305, %swap3A_306] {strides = array<i32>} : memref<32x256xf32, #tpu.memory_space<vmem>>, vector<16xf32>,
        tpu.vector_store %arg12[%swap3A_305, %swap3A_306], %gather3A_303 {strides = array<i32>} : memref<32x256xf32, #tpu.memory_space<vmem>>, vector<16xf32>,
        %add3A_308 = arith.constant 27 : i32
        %add3A_309 = vector.broadcast %add3A_308 : i32 to vector<16xi32>
        %add3A_310 = arith.addi %get3A_93, %add3A_309 : vector<16xi32>
        %gather3A_311 = tpu.vector_load_idx %arg10[%add3A_92, %add3A_310] : memref<256x128xf32, #tpu.memory_space<vmem>>[vector<16xi32>, vector<16xi32>], vector<16xf32>,
        %swap3A_312 = arith.constant 27 : i32
        %swap3A_313 = arith.index_cast %swap3A_312 : i32 to index
        %swap3A_314 = arith.index_cast %multiple_of3A : i32 to index
        %swap3A_315 = tpu.vector_load %arg12[%swap3A_313, %swap3A_314] {strides = array<i32>} : memref<32x256xf32, #tpu.memory_space<vmem>>, vector<16xf32>,
        tpu.vector_store %arg12[%swap3A_313, %swap3A_314], %gather3A_311 {strides = array<i32>} : memref<32x256xf32, #tpu.memory_space<vmem>>, vector<16xf32>,
        %add3A_316 = arith.constant 28 : i32
        %add3A_317 = vector.broadcast %add3A_316 : i32 to vector<16xi32>
        %add3A_318 = arith.addi %get3A_93, %add3A_317 : vector<16xi32>
        %gather3A_319 = tpu.vector_load_idx %arg10[%add3A_92, %add3A_318] : memref<256x128xf32, #tpu.memory_space<vmem>>[vector<16xi32>, vector<16xi32>], vector<16xf32>,
        %swap3A_320 = arith.constant 28 : i32
        %swap3A_321 = arith.index_cast %swap3A_320 : i32 to index
        %swap3A_322 = arith.index_cast %multiple_of3A : i32 to index
        %swap3A_323 = tpu.vector_load %arg12[%swap3A_321, %swap3A_322] {strides = array<i32>} : memref<32x256xf32, #tpu.memory_space<vmem>>, vector<16xf32>,
        tpu.vector_store %arg12[%swap3A_321, %swap3A_322], %gather3A_319 {strides = array<i32>} : memref<32x256xf32, #tpu.memory_space<vmem>>, vector<16xf32>,
        %add3A_324 = arith.constant 29 : i32
        %add3A_325 = vector.broadcast %add3A_324 : i32 to vector<16xi32>
        %add3A_326 = arith.addi %get3A_93, %add3A_325 : vector<16xi32>
        %gather3A_327 = tpu.vector_load_idx %arg10[%add3A_92, %add3A_326] : memref<256x128xf32, #tpu.memory_space<vmem>>[vector<16xi32>, vector<16xi32>], vector<16xf32>,
        %swap3A_328 = arith.constant 29 : i32
        %swap3A_329 = arith.index_cast %swap3A_328 : i32 to index
        %swap3A_330 = arith.index_cast %multiple_of3A : i32 to index
        %swap3A_331 = tpu.vector_load %arg12[%swap3A_329, %swap3A_330] {strides = array<i32>} : memref<32x256xf32, #tpu.memory_space<vmem>>, vector<16xf32>,
        tpu.vector_store %arg12[%swap3A_329, %swap3A_330], %gather3A_327 {strides = array<i32>} : memref<32x256xf32, #tpu.memory_space<vmem>>, vector<16xf32>,
        %add3A_332 = arith.constant 30 : i32
        %add3A_333 = vector.broadcast %add3A_332 : i32 to vector<16xi32>
        %add3A_334 = arith.addi %get3A_93, %add3A_333 : vector<16xi32>
        %gather3A_335 = tpu.vector_load_idx %arg10[%add3A_92, %add3A_334] : memref<256x128xf32, #tpu.memory_space<vmem>>[vector<16xi32>, vector<16xi32>], vector<16xf32>,
        %swap3A_336 = arith.constant 30 : i32
        %swap3A_337 = arith.index_cast %swap3A_336 : i32 to index
        %swap3A_338 = arith.index_cast %multiple_of3A : i32 to index
        %swap3A_339 = tpu.vector_load %arg12[%swap3A_337, %swap3A_338] {strides = array<i32>} : memref<32x256xf32, #tpu.memory_space<vmem>>, vector<16xf32>,
        tpu.vector_store %arg12[%swap3A_337, %swap3A_338], %gather3A_335 {strides = array<i32>} : memref<32x256xf32, #tpu.memory_space<vmem>>, vector<16xf32>,
        %add3A_340 = arith.constant 31 : i32
        %add3A_341 = vector.broadcast %add3A_340 : i32 to vector<16xi32>
        %add3A_342 = arith.addi %get3A_93, %add3A_341 : vector<16xi32>
        %gather3A_343 = tpu.vector_load_idx %arg10[%add3A_92, %add3A_342] : memref<256x128xf32, #tpu.memory_space<vmem>>[vector<16xi32>, vector<16xi32>], vector<16xf32>,
        %swap3A_344 = arith.constant 31 : i32
        %swap3A_345 = arith.index_cast %swap3A_344 : i32 to index
        %swap3A_346 = arith.index_cast %multiple_of3A : i32 to index
        %swap3A_347 = tpu.vector_load %arg12[%swap3A_345, %swap3A_346] {strides = array<i32>} : memref<32x256xf32, #tpu.memory_space<vmem>>, vector<16xf32>,
        tpu.vector_store %arg12[%swap3A_345, %swap3A_346], %gather3A_343 {strides = array<i32>} : memref<32x256xf32, #tpu.memory_space<vmem>>, vector<16xf32>,
      }
      %scan3A_49 = arith.constant 16 : i32
      %add3A_50 = arith.constant 0 : i32
      %add3A_51 = arith.addi %mul3A_2, %add3A_50 : i32
      %dma_start3A_52 = arith.constant 0 : i32
      %dma_start3A_53 = tpu.memref_slice %arg4[%scan3A_29, %dma_start3A_52, %add3A_51] : memref<50x32x16384xf32, #tpu.memory_space<hbm>> -> memref<1x32x256xf32, #tpu.memory_space<hbm>>
      %dma_start3A_54 = tpu.memref_squeeze %dma_start3A_53 : memref<1x32x256xf32, #tpu.memory_space<hbm>> -> memref<32x256xf32, #tpu.memory_space<hbm>>
      %dma_start3A_55 = arith.constant 0 : i32
      %dma_start3A_56 = tpu.memref_slice %arg4[%scan3A_29, %dma_start3A_55, %add3A_51] : memref<50x32x16384xf32, #tpu.memory_space<hbm>> -> memref<1x32x256xf32, #tpu.memory_space<hbm>>
      %dma_start3A_57 = tpu.memref_squeeze %dma_start3A_56 : memref<1x32x256xf32, #tpu.memory_space<hbm>> -> memref<32x256xf32, #tpu.memory_space<hbm>>
      tpu.enqueue_dma source(%arg12 : memref<32x256xf32, #tpu.memory_space<vmem>>) target(%dma_start3A_57 : memref<32x256xf32, #tpu.memory_space<hbm>>) target_semaphore(%arg16 : memref<!tpu.dma_semaphore, #tpu.memory_space<semaphore_mem>>)
      %add3A_58 = arith.constant 1 : i32
      %add3A_59 = arith.addi %scan3A_29, %add3A_58 : i32
      %lt3A = arith.constant 50 : i32
      %lt3A_60 = arith.cmpi slt, %add3A_59, %lt3A : i32
      %convert_element_type3A_61 = arith.extui %lt3A_60 : i1 to i32
      %cond3A_62 = arith.constant 0 : i32
      %cond3A_63 = arith.cmpi ne, %convert_element_type3A_61, %cond3A_62 : i32
      scf.if %cond3A_63 {
        %add3A_86 = arith.constant 1 : i32
        %add3A_87 = arith.addi %scan3A_29, %add3A_86 : i32
        %scan3A_88 = arith.constant 0 : i32
        %scan3A_89 = arith.constant 0 : i32
        %scan3A_90 = arith.constant 16 : i32
        %scan3A_91 = arith.addi %scan3A_89, %scan3A_90 : i32
        %scan3A_92 = arith.constant 1 : i32
        scf.for %scan3A_97 = %scan3A_89 to %scan3A_91 step %scan3A_92  : i32 {
          %mul3A_98 = arith.constant 16 : i32
          %mul3A_99 = arith.muli %scan3A_97, %mul3A_98 : i32
          %multiple_of3A = tpu.assume_multiple %mul3A_99, 8 : i32
          %mul3A_100 = arith.constant 16 : i32
          %mul3A_101 = arith.muli %scan3A_97, %mul3A_100 : i32
          %add3A_102 = arith.constant 0 : i32
          %add3A_103 = arith.addi %add3A_102, %mul3A_101 : i32
          %multiple_of3A_104 = tpu.assume_multiple %add3A_103, 8 : i32
          %get3A = arith.index_cast %add3A_87 : i32 to index
          %get3A_105 = arith.index_cast %multiple_of3A_104 : i32 to index
          %get3A_106 = tpu.vector_load %arg5[%get3A, %get3A_105] {strides = array<i32>} : memref<50x512xi32, #tpu.memory_space<vmem>>, vector<16xi32>,
          %shift_right_logical3A = arith.constant 2 : i32
          %shift_right_logical3A_107 = vector.broadcast %shift_right_logical3A : i32 to vector<16xi32>
          %shift_right_logical3A_108 = arith.shrui %get3A_106, %shift_right_logical3A_107 : vector<16xi32>
          %swap3A = arith.index_cast %multiple_of3A : i32 to index
          %swap3A_109 = tpu.vector_load %arg6[%swap3A] {strides = array<i32>} : memref<256xi32, #tpu.memory_space<vmem>>, vector<16xi32>,
          tpu.vector_store %arg6[%swap3A], %shift_right_logical3A_108 {strides = array<i32>} : memref<256xi32, #tpu.memory_space<vmem>>, vector<16xi32>,
          %and3A = arith.constant 3 : i32
          %and3A_110 = vector.broadcast %and3A : i32 to vector<16xi32>
          %and3A_111 = arith.andi %get3A_106, %and3A_110 : vector<16xi32>
          %shift_left3A = arith.constant 5 : i32
          %shift_left3A_112 = vector.broadcast %shift_left3A : i32 to vector<16xi32>
          %shift_left3A_113 = arith.shli %and3A_111, %shift_left3A_112 : vector<16xi32>
          %swap3A_114 = arith.index_cast %multiple_of3A : i32 to index
          %swap3A_115 = tpu.vector_load %arg8[%swap3A_114] {strides = array<i32>} : memref<256xi32, #tpu.memory_space<vmem>>, vector<16xi32>,
          tpu.vector_store %arg8[%swap3A_114], %shift_left3A_113 {strides = array<i32>} : memref<256xi32, #tpu.memory_space<vmem>>, vector<16xi32>,
        }
        %scan3A_93 = arith.constant 16 : i32
        %dma_start3A_94 = arith.constant 0 : i32
        %dma_start3A_95 = arith.constant 0 : i32
        %dma_start3A_96 = tpu.memref_slice %arg3[%dma_start3A_94, %dma_start3A_95] : memref<250000x128xf32, #tpu.memory_space<hbm>> -> memref<250000x128xf32, #tpu.memory_space<hbm>>
        tpu.enqueue_indirect_dma source(%dma_start3A_96 : memref<250000x128xf32, #tpu.memory_space<hbm>>) target(%arg10 : memref<256x128xf32, #tpu.memory_space<vmem>>) offsets(%arg6 : memref<256xi32, #tpu.memory_space<vmem>>) semaphore(%arg14 : memref<!tpu.dma_semaphore, #tpu.memory_space<semaphore_mem>>)
      } else {
      }
      %dma_wait3A_64 = arith.constant 0 : i32
      %dma_wait3A_65 = arith.constant 0 : i32
      %dma_wait3A_66 = tpu.memref_slice %arg3[%dma_wait3A_64, %dma_wait3A_65] : memref<250000x128xf32, #tpu.memory_space<hbm>> -> memref<250000x128xf32, #tpu.memory_space<hbm>>
      tpu.wait_indirect_dma semaphore(%arg15 : memref<!tpu.dma_semaphore, #tpu.memory_space<semaphore_mem>>) src(%dma_wait3A_66 : memref<250000x128xf32, #tpu.memory_space<hbm>>) dst(%arg11 : memref<256x128xf32, #tpu.memory_space<vmem>>)
      %gt3A_67 = arith.constant 0 : i32
      %gt3A_68 = arith.cmpi sgt, %scan3A_29, %gt3A_67 : i32
      %convert_element_type3A_69 = arith.extui %gt3A_68 : i1 to i32
      %cond3A_70 = arith.constant 0 : i32
      %cond3A_71 = arith.cmpi ne, %convert_element_type3A_69, %cond3A_70 : i32
      scf.if %cond3A_71 {
        %dma_wait3A_86 = arith.constant 0 : i32
        %dma_wait3A_87 = arith.constant 0 : i32
        %dma_wait3A_88 = tpu.memref_slice %arg4[%dma_wait3A_86, %dma_wait3A_87, %mul3A_2] : memref<50x32x16384xf32, #tpu.memory_space<hbm>> -> memref<1x32x256xf32, #tpu.memory_space<hbm>>
        %dma_wait3A_89 = tpu.memref_squeeze %dma_wait3A_88 : memref<1x32x256xf32, #tpu.memory_space<hbm>> -> memref<32x256xf32, #tpu.memory_space<hbm>>
        %dma_wait3A_90 = arith.constant 0 : i32
        %dma_wait3A_91 = tpu.memref_slice %arg4[%dma_wait3A_86, %dma_wait3A_90, %mul3A_2] : memref<50x32x16384xf32, #tpu.memory_space<hbm>> -> memref<1x32x256xf32, #tpu.memory_space<hbm>>
        %dma_wait3A_92 = tpu.memref_squeeze %dma_wait3A_91 : memref<1x32x256xf32, #tpu.memory_space<hbm>> -> memref<32x256xf32, #tpu.memory_space<hbm>>
        tpu.wait_dma2 semaphore(%arg17 : memref<!tpu.dma_semaphore, #tpu.memory_space<semaphore_mem>>) src(%arg13 : memref<32x256xf32, #tpu.memory_space<vmem>>) dst(%dma_wait3A_92 : memref<32x256xf32, #tpu.memory_space<hbm>>)
      } else {
      }
      %scan3A_72 = arith.constant 0 : i32
      %scan3A_73 = arith.constant 0 : i32
      %scan3A_74 = arith.constant 16 : i32
      %scan3A_75 = arith.addi %scan3A_73, %scan3A_74 : i32
      %scan3A_76 = arith.constant 1 : i32
      scf.for %scan3A_86 = %scan3A_73 to %scan3A_75 step %scan3A_76  : i32 {
        %mul3A_87 = arith.constant 16 : i32
        %mul3A_88 = arith.muli %scan3A_86, %mul3A_87 : i32
        %multiple_of3A = tpu.assume_multiple %mul3A_88, 8 : i32
        %mul3A_89 = arith.constant 16 : i32
        %mul3A_90 = arith.muli %scan3A_86, %mul3A_89 : i32
        %add3A_91 = vector.broadcast %mul3A_90 : i32 to vector<16xi32>
        %add3A_92 = arith.addi %add3A_91, %iota3A : vector<16xi32>
        %get3A = arith.index_cast %multiple_of3A : i32 to index
        %get3A_93 = tpu.vector_load %arg9[%get3A] {strides = array<i32>} : memref<256xi32, #tpu.memory_space<vmem>>, vector<16xi32>,
        %add3A_94 = arith.constant 0 : i32
        %add3A_95 = vector.broadcast %add3A_94 : i32 to vector<16xi32>
        %add3A_96 = arith.addi %get3A_93, %add3A_95 : vector<16xi32>
        %gather3A = tpu.vector_load_idx %arg11[%add3A_92, %add3A_96] : memref<256x128xf32, #tpu.memory_space<vmem>>[vector<16xi32>, vector<16xi32>], vector<16xf32>,
        %swap3A = arith.constant 0 : i32
        %swap3A_97 = arith.index_cast %swap3A : i32 to index
        %swap3A_98 = arith.index_cast %multiple_of3A : i32 to index
        %swap3A_99 = tpu.vector_load %arg13[%swap3A_97, %swap3A_98] {strides = array<i32>} : memref<32x256xf32, #tpu.memory_space<vmem>>, vector<16xf32>,
        tpu.vector_store %arg13[%swap3A_97, %swap3A_98], %gather3A {strides = array<i32>} : memref<32x256xf32, #tpu.memory_space<vmem>>, vector<16xf32>,
        %add3A_100 = arith.constant 1 : i32
        %add3A_101 = vector.broadcast %add3A_100 : i32 to vector<16xi32>
        %add3A_102 = arith.addi %get3A_93, %add3A_101 : vector<16xi32>
        %gather3A_103 = tpu.vector_load_idx %arg11[%add3A_92, %add3A_102] : memref<256x128xf32, #tpu.memory_space<vmem>>[vector<16xi32>, vector<16xi32>], vector<16xf32>,
        %swap3A_104 = arith.constant 1 : i32
        %swap3A_105 = arith.index_cast %swap3A_104 : i32 to index
        %swap3A_106 = arith.index_cast %multiple_of3A : i32 to index
        %swap3A_107 = tpu.vector_load %arg13[%swap3A_105, %swap3A_106] {strides = array<i32>} : memref<32x256xf32, #tpu.memory_space<vmem>>, vector<16xf32>,
        tpu.vector_store %arg13[%swap3A_105, %swap3A_106], %gather3A_103 {strides = array<i32>} : memref<32x256xf32, #tpu.memory_space<vmem>>, vector<16xf32>,
        %add3A_108 = arith.constant 2 : i32
        %add3A_109 = vector.broadcast %add3A_108 : i32 to vector<16xi32>
        %add3A_110 = arith.addi %get3A_93, %add3A_109 : vector<16xi32>
        %gather3A_111 = tpu.vector_load_idx %arg11[%add3A_92, %add3A_110] : memref<256x128xf32, #tpu.memory_space<vmem>>[vector<16xi32>, vector<16xi32>], vector<16xf32>,
        %swap3A_112 = arith.constant 2 : i32
        %swap3A_113 = arith.index_cast %swap3A_112 : i32 to index
        %swap3A_114 = arith.index_cast %multiple_of3A : i32 to index
        %swap3A_115 = tpu.vector_load %arg13[%swap3A_113, %swap3A_114] {strides = array<i32>} : memref<32x256xf32, #tpu.memory_space<vmem>>, vector<16xf32>,
        tpu.vector_store %arg13[%swap3A_113, %swap3A_114], %gather3A_111 {strides = array<i32>} : memref<32x256xf32, #tpu.memory_space<vmem>>, vector<16xf32>,
        %add3A_116 = arith.constant 3 : i32
        %add3A_117 = vector.broadcast %add3A_116 : i32 to vector<16xi32>
        %add3A_118 = arith.addi %get3A_93, %add3A_117 : vector<16xi32>
        %gather3A_119 = tpu.vector_load_idx %arg11[%add3A_92, %add3A_118] : memref<256x128xf32, #tpu.memory_space<vmem>>[vector<16xi32>, vector<16xi32>], vector<16xf32>,
        %swap3A_120 = arith.constant 3 : i32
        %swap3A_121 = arith.index_cast %swap3A_120 : i32 to index
        %swap3A_122 = arith.index_cast %multiple_of3A : i32 to index
        %swap3A_123 = tpu.vector_load %arg13[%swap3A_121, %swap3A_122] {strides = array<i32>} : memref<32x256xf32, #tpu.memory_space<vmem>>, vector<16xf32>,
        tpu.vector_store %arg13[%swap3A_121, %swap3A_122], %gather3A_119 {strides = array<i32>} : memref<32x256xf32, #tpu.memory_space<vmem>>, vector<16xf32>,
        %add3A_124 = arith.constant 4 : i32
        %add3A_125 = vector.broadcast %add3A_124 : i32 to vector<16xi32>
        %add3A_126 = arith.addi %get3A_93, %add3A_125 : vector<16xi32>
        %gather3A_127 = tpu.vector_load_idx %arg11[%add3A_92, %add3A_126] : memref<256x128xf32, #tpu.memory_space<vmem>>[vector<16xi32>, vector<16xi32>], vector<16xf32>,
        %swap3A_128 = arith.constant 4 : i32
        %swap3A_129 = arith.index_cast %swap3A_128 : i32 to index
        %swap3A_130 = arith.index_cast %multiple_of3A : i32 to index
        %swap3A_131 = tpu.vector_load %arg13[%swap3A_129, %swap3A_130] {strides = array<i32>} : memref<32x256xf32, #tpu.memory_space<vmem>>, vector<16xf32>,
        tpu.vector_store %arg13[%swap3A_129, %swap3A_130], %gather3A_127 {strides = array<i32>} : memref<32x256xf32, #tpu.memory_space<vmem>>, vector<16xf32>,
        %add3A_132 = arith.constant 5 : i32
        %add3A_133 = vector.broadcast %add3A_132 : i32 to vector<16xi32>
        %add3A_134 = arith.addi %get3A_93, %add3A_133 : vector<16xi32>
        %gather3A_135 = tpu.vector_load_idx %arg11[%add3A_92, %add3A_134] : memref<256x128xf32, #tpu.memory_space<vmem>>[vector<16xi32>, vector<16xi32>], vector<16xf32>,
        %swap3A_136 = arith.constant 5 : i32
        %swap3A_137 = arith.index_cast %swap3A_136 : i32 to index
        %swap3A_138 = arith.index_cast %multiple_of3A : i32 to index
        %swap3A_139 = tpu.vector_load %arg13[%swap3A_137, %swap3A_138] {strides = array<i32>} : memref<32x256xf32, #tpu.memory_space<vmem>>, vector<16xf32>,
        tpu.vector_store %arg13[%swap3A_137, %swap3A_138], %gather3A_135 {strides = array<i32>} : memref<32x256xf32, #tpu.memory_space<vmem>>, vector<16xf32>,
        %add3A_140 = arith.constant 6 : i32
        %add3A_141 = vector.broadcast %add3A_140 : i32 to vector<16xi32>
        %add3A_142 = arith.addi %get3A_93, %add3A_141 : vector<16xi32>
        %gather3A_143 = tpu.vector_load_idx %arg11[%add3A_92, %add3A_142] : memref<256x128xf32, #tpu.memory_space<vmem>>[vector<16xi32>, vector<16xi32>], vector<16xf32>,
        %swap3A_144 = arith.constant 6 : i32
        %swap3A_145 = arith.index_cast %swap3A_144 : i32 to index
        %swap3A_146 = arith.index_cast %multiple_of3A : i32 to index
        %swap3A_147 = tpu.vector_load %arg13[%swap3A_145, %swap3A_146] {strides = array<i32>} : memref<32x256xf32, #tpu.memory_space<vmem>>, vector<16xf32>,
        tpu.vector_store %arg13[%swap3A_145, %swap3A_146], %gather3A_143 {strides = array<i32>} : memref<32x256xf32, #tpu.memory_space<vmem>>, vector<16xf32>,
        %add3A_148 = arith.constant 7 : i32
        %add3A_149 = vector.broadcast %add3A_148 : i32 to vector<16xi32>
        %add3A_150 = arith.addi %get3A_93, %add3A_149 : vector<16xi32>
        %gather3A_151 = tpu.vector_load_idx %arg11[%add3A_92, %add3A_150] : memref<256x128xf32, #tpu.memory_space<vmem>>[vector<16xi32>, vector<16xi32>], vector<16xf32>,
        %swap3A_152 = arith.constant 7 : i32
        %swap3A_153 = arith.index_cast %swap3A_152 : i32 to index
        %swap3A_154 = arith.index_cast %multiple_of3A : i32 to index
        %swap3A_155 = tpu.vector_load %arg13[%swap3A_153, %swap3A_154] {strides = array<i32>} : memref<32x256xf32, #tpu.memory_space<vmem>>, vector<16xf32>,
        tpu.vector_store %arg13[%swap3A_153, %swap3A_154], %gather3A_151 {strides = array<i32>} : memref<32x256xf32, #tpu.memory_space<vmem>>, vector<16xf32>,
        %add3A_156 = arith.constant 8 : i32
        %add3A_157 = vector.broadcast %add3A_156 : i32 to vector<16xi32>
        %add3A_158 = arith.addi %get3A_93, %add3A_157 : vector<16xi32>
        %gather3A_159 = tpu.vector_load_idx %arg11[%add3A_92, %add3A_158] : memref<256x128xf32, #tpu.memory_space<vmem>>[vector<16xi32>, vector<16xi32>], vector<16xf32>,
        %swap3A_160 = arith.constant 8 : i32
        %swap3A_161 = arith.index_cast %swap3A_160 : i32 to index
        %swap3A_162 = arith.index_cast %multiple_of3A : i32 to index
        %swap3A_163 = tpu.vector_load %arg13[%swap3A_161, %swap3A_162] {strides = array<i32>} : memref<32x256xf32, #tpu.memory_space<vmem>>, vector<16xf32>,
        tpu.vector_store %arg13[%swap3A_161, %swap3A_162], %gather3A_159 {strides = array<i32>} : memref<32x256xf32, #tpu.memory_space<vmem>>, vector<16xf32>,
        %add3A_164 = arith.constant 9 : i32
        %add3A_165 = vector.broadcast %add3A_164 : i32 to vector<16xi32>
        %add3A_166 = arith.addi %get3A_93, %add3A_165 : vector<16xi32>
        %gather3A_167 = tpu.vector_load_idx %arg11[%add3A_92, %add3A_166] : memref<256x128xf32, #tpu.memory_space<vmem>>[vector<16xi32>, vector<16xi32>], vector<16xf32>,
        %swap3A_168 = arith.constant 9 : i32
        %swap3A_169 = arith.index_cast %swap3A_168 : i32 to index
        %swap3A_170 = arith.index_cast %multiple_of3A : i32 to index
        %swap3A_171 = tpu.vector_load %arg13[%swap3A_169, %swap3A_170] {strides = array<i32>} : memref<32x256xf32, #tpu.memory_space<vmem>>, vector<16xf32>,
        tpu.vector_store %arg13[%swap3A_169, %swap3A_170], %gather3A_167 {strides = array<i32>} : memref<32x256xf32, #tpu.memory_space<vmem>>, vector<16xf32>,
        %add3A_172 = arith.constant 10 : i32
        %add3A_173 = vector.broadcast %add3A_172 : i32 to vector<16xi32>
        %add3A_174 = arith.addi %get3A_93, %add3A_173 : vector<16xi32>
        %gather3A_175 = tpu.vector_load_idx %arg11[%add3A_92, %add3A_174] : memref<256x128xf32, #tpu.memory_space<vmem>>[vector<16xi32>, vector<16xi32>], vector<16xf32>,
        %swap3A_176 = arith.constant 10 : i32
        %swap3A_177 = arith.index_cast %swap3A_176 : i32 to index
        %swap3A_178 = arith.index_cast %multiple_of3A : i32 to index
        %swap3A_179 = tpu.vector_load %arg13[%swap3A_177, %swap3A_178] {strides = array<i32>} : memref<32x256xf32, #tpu.memory_space<vmem>>, vector<16xf32>,
        tpu.vector_store %arg13[%swap3A_177, %swap3A_178], %gather3A_175 {strides = array<i32>} : memref<32x256xf32, #tpu.memory_space<vmem>>, vector<16xf32>,
        %add3A_180 = arith.constant 11 : i32
        %add3A_181 = vector.broadcast %add3A_180 : i32 to vector<16xi32>
        %add3A_182 = arith.addi %get3A_93, %add3A_181 : vector<16xi32>
        %gather3A_183 = tpu.vector_load_idx %arg11[%add3A_92, %add3A_182] : memref<256x128xf32, #tpu.memory_space<vmem>>[vector<16xi32>, vector<16xi32>], vector<16xf32>,
        %swap3A_184 = arith.constant 11 : i32
        %swap3A_185 = arith.index_cast %swap3A_184 : i32 to index
        %swap3A_186 = arith.index_cast %multiple_of3A : i32 to index
        %swap3A_187 = tpu.vector_load %arg13[%swap3A_185, %swap3A_186] {strides = array<i32>} : memref<32x256xf32, #tpu.memory_space<vmem>>, vector<16xf32>,
        tpu.vector_store %arg13[%swap3A_185, %swap3A_186], %gather3A_183 {strides = array<i32>} : memref<32x256xf32, #tpu.memory_space<vmem>>, vector<16xf32>,
        %add3A_188 = arith.constant 12 : i32
        %add3A_189 = vector.broadcast %add3A_188 : i32 to vector<16xi32>
        %add3A_190 = arith.addi %get3A_93, %add3A_189 : vector<16xi32>
        %gather3A_191 = tpu.vector_load_idx %arg11[%add3A_92, %add3A_190] : memref<256x128xf32, #tpu.memory_space<vmem>>[vector<16xi32>, vector<16xi32>], vector<16xf32>,
        %swap3A_192 = arith.constant 12 : i32
        %swap3A_193 = arith.index_cast %swap3A_192 : i32 to index
        %swap3A_194 = arith.index_cast %multiple_of3A : i32 to index
        %swap3A_195 = tpu.vector_load %arg13[%swap3A_193, %swap3A_194] {strides = array<i32>} : memref<32x256xf32, #tpu.memory_space<vmem>>, vector<16xf32>,
        tpu.vector_store %arg13[%swap3A_193, %swap3A_194], %gather3A_191 {strides = array<i32>} : memref<32x256xf32, #tpu.memory_space<vmem>>, vector<16xf32>,
        %add3A_196 = arith.constant 13 : i32
        %add3A_197 = vector.broadcast %add3A_196 : i32 to vector<16xi32>
        %add3A_198 = arith.addi %get3A_93, %add3A_197 : vector<16xi32>
        %gather3A_199 = tpu.vector_load_idx %arg11[%add3A_92, %add3A_198] : memref<256x128xf32, #tpu.memory_space<vmem>>[vector<16xi32>, vector<16xi32>], vector<16xf32>,
        %swap3A_200 = arith.constant 13 : i32
        %swap3A_201 = arith.index_cast %swap3A_200 : i32 to index
        %swap3A_202 = arith.index_cast %multiple_of3A : i32 to index
        %swap3A_203 = tpu.vector_load %arg13[%swap3A_201, %swap3A_202] {strides = array<i32>} : memref<32x256xf32, #tpu.memory_space<vmem>>, vector<16xf32>,
        tpu.vector_store %arg13[%swap3A_201, %swap3A_202], %gather3A_199 {strides = array<i32>} : memref<32x256xf32, #tpu.memory_space<vmem>>, vector<16xf32>,
        %add3A_204 = arith.constant 14 : i32
        %add3A_205 = vector.broadcast %add3A_204 : i32 to vector<16xi32>
        %add3A_206 = arith.addi %get3A_93, %add3A_205 : vector<16xi32>
        %gather3A_207 = tpu.vector_load_idx %arg11[%add3A_92, %add3A_206] : memref<256x128xf32, #tpu.memory_space<vmem>>[vector<16xi32>, vector<16xi32>], vector<16xf32>,
        %swap3A_208 = arith.constant 14 : i32
        %swap3A_209 = arith.index_cast %swap3A_208 : i32 to index
        %swap3A_210 = arith.index_cast %multiple_of3A : i32 to index
        %swap3A_211 = tpu.vector_load %arg13[%swap3A_209, %swap3A_210] {strides = array<i32>} : memref<32x256xf32, #tpu.memory_space<vmem>>, vector<16xf32>,
        tpu.vector_store %arg13[%swap3A_209, %swap3A_210], %gather3A_207 {strides = array<i32>} : memref<32x256xf32, #tpu.memory_space<vmem>>, vector<16xf32>,
        %add3A_212 = arith.constant 15 : i32
        %add3A_213 = vector.broadcast %add3A_212 : i32 to vector<16xi32>
        %add3A_214 = arith.addi %get3A_93, %add3A_213 : vector<16xi32>
        %gather3A_215 = tpu.vector_load_idx %arg11[%add3A_92, %add3A_214] : memref<256x128xf32, #tpu.memory_space<vmem>>[vector<16xi32>, vector<16xi32>], vector<16xf32>,
        %swap3A_216 = arith.constant 15 : i32
        %swap3A_217 = arith.index_cast %swap3A_216 : i32 to index
        %swap3A_218 = arith.index_cast %multiple_of3A : i32 to index
        %swap3A_219 = tpu.vector_load %arg13[%swap3A_217, %swap3A_218] {strides = array<i32>} : memref<32x256xf32, #tpu.memory_space<vmem>>, vector<16xf32>,
        tpu.vector_store %arg13[%swap3A_217, %swap3A_218], %gather3A_215 {strides = array<i32>} : memref<32x256xf32, #tpu.memory_space<vmem>>, vector<16xf32>,
        %add3A_220 = arith.constant 16 : i32
        %add3A_221 = vector.broadcast %add3A_220 : i32 to vector<16xi32>
        %add3A_222 = arith.addi %get3A_93, %add3A_221 : vector<16xi32>
        %gather3A_223 = tpu.vector_load_idx %arg11[%add3A_92, %add3A_222] : memref<256x128xf32, #tpu.memory_space<vmem>>[vector<16xi32>, vector<16xi32>], vector<16xf32>,
        %swap3A_224 = arith.constant 16 : i32
        %swap3A_225 = arith.index_cast %swap3A_224 : i32 to index
        %swap3A_226 = arith.index_cast %multiple_of3A : i32 to index
        %swap3A_227 = tpu.vector_load %arg13[%swap3A_225, %swap3A_226] {strides = array<i32>} : memref<32x256xf32, #tpu.memory_space<vmem>>, vector<16xf32>,
        tpu.vector_store %arg13[%swap3A_225, %swap3A_226], %gather3A_223 {strides = array<i32>} : memref<32x256xf32, #tpu.memory_space<vmem>>, vector<16xf32>,
        %add3A_228 = arith.constant 17 : i32
        %add3A_229 = vector.broadcast %add3A_228 : i32 to vector<16xi32>
        %add3A_230 = arith.addi %get3A_93, %add3A_229 : vector<16xi32>
        %gather3A_231 = tpu.vector_load_idx %arg11[%add3A_92, %add3A_230] : memref<256x128xf32, #tpu.memory_space<vmem>>[vector<16xi32>, vector<16xi32>], vector<16xf32>,
        %swap3A_232 = arith.constant 17 : i32
        %swap3A_233 = arith.index_cast %swap3A_232 : i32 to index
        %swap3A_234 = arith.index_cast %multiple_of3A : i32 to index
        %swap3A_235 = tpu.vector_load %arg13[%swap3A_233, %swap3A_234] {strides = array<i32>} : memref<32x256xf32, #tpu.memory_space<vmem>>, vector<16xf32>,
        tpu.vector_store %arg13[%swap3A_233, %swap3A_234], %gather3A_231 {strides = array<i32>} : memref<32x256xf32, #tpu.memory_space<vmem>>, vector<16xf32>,
        %add3A_236 = arith.constant 18 : i32
        %add3A_237 = vector.broadcast %add3A_236 : i32 to vector<16xi32>
        %add3A_238 = arith.addi %get3A_93, %add3A_237 : vector<16xi32>
        %gather3A_239 = tpu.vector_load_idx %arg11[%add3A_92, %add3A_238] : memref<256x128xf32, #tpu.memory_space<vmem>>[vector<16xi32>, vector<16xi32>], vector<16xf32>,
        %swap3A_240 = arith.constant 18 : i32
        %swap3A_241 = arith.index_cast %swap3A_240 : i32 to index
        %swap3A_242 = arith.index_cast %multiple_of3A : i32 to index
        %swap3A_243 = tpu.vector_load %arg13[%swap3A_241, %swap3A_242] {strides = array<i32>} : memref<32x256xf32, #tpu.memory_space<vmem>>, vector<16xf32>,
        tpu.vector_store %arg13[%swap3A_241, %swap3A_242], %gather3A_239 {strides = array<i32>} : memref<32x256xf32, #tpu.memory_space<vmem>>, vector<16xf32>,
        %add3A_244 = arith.constant 19 : i32
        %add3A_245 = vector.broadcast %add3A_244 : i32 to vector<16xi32>
        %add3A_246 = arith.addi %get3A_93, %add3A_245 : vector<16xi32>
        %gather3A_247 = tpu.vector_load_idx %arg11[%add3A_92, %add3A_246] : memref<256x128xf32, #tpu.memory_space<vmem>>[vector<16xi32>, vector<16xi32>], vector<16xf32>,
        %swap3A_248 = arith.constant 19 : i32
        %swap3A_249 = arith.index_cast %swap3A_248 : i32 to index
        %swap3A_250 = arith.index_cast %multiple_of3A : i32 to index
        %swap3A_251 = tpu.vector_load %arg13[%swap3A_249, %swap3A_250] {strides = array<i32>} : memref<32x256xf32, #tpu.memory_space<vmem>>, vector<16xf32>,
        tpu.vector_store %arg13[%swap3A_249, %swap3A_250], %gather3A_247 {strides = array<i32>} : memref<32x256xf32, #tpu.memory_space<vmem>>, vector<16xf32>,
        %add3A_252 = arith.constant 20 : i32
        %add3A_253 = vector.broadcast %add3A_252 : i32 to vector<16xi32>
        %add3A_254 = arith.addi %get3A_93, %add3A_253 : vector<16xi32>
        %gather3A_255 = tpu.vector_load_idx %arg11[%add3A_92, %add3A_254] : memref<256x128xf32, #tpu.memory_space<vmem>>[vector<16xi32>, vector<16xi32>], vector<16xf32>,
        %swap3A_256 = arith.constant 20 : i32
        %swap3A_257 = arith.index_cast %swap3A_256 : i32 to index
        %swap3A_258 = arith.index_cast %multiple_of3A : i32 to index
        %swap3A_259 = tpu.vector_load %arg13[%swap3A_257, %swap3A_258] {strides = array<i32>} : memref<32x256xf32, #tpu.memory_space<vmem>>, vector<16xf32>,
        tpu.vector_store %arg13[%swap3A_257, %swap3A_258], %gather3A_255 {strides = array<i32>} : memref<32x256xf32, #tpu.memory_space<vmem>>, vector<16xf32>,
        %add3A_260 = arith.constant 21 : i32
        %add3A_261 = vector.broadcast %add3A_260 : i32 to vector<16xi32>
        %add3A_262 = arith.addi %get3A_93, %add3A_261 : vector<16xi32>
        %gather3A_263 = tpu.vector_load_idx %arg11[%add3A_92, %add3A_262] : memref<256x128xf32, #tpu.memory_space<vmem>>[vector<16xi32>, vector<16xi32>], vector<16xf32>,
        %swap3A_264 = arith.constant 21 : i32
        %swap3A_265 = arith.index_cast %swap3A_264 : i32 to index
        %swap3A_266 = arith.index_cast %multiple_of3A : i32 to index
        %swap3A_267 = tpu.vector_load %arg13[%swap3A_265, %swap3A_266] {strides = array<i32>} : memref<32x256xf32, #tpu.memory_space<vmem>>, vector<16xf32>,
        tpu.vector_store %arg13[%swap3A_265, %swap3A_266], %gather3A_263 {strides = array<i32>} : memref<32x256xf32, #tpu.memory_space<vmem>>, vector<16xf32>,
        %add3A_268 = arith.constant 22 : i32
        %add3A_269 = vector.broadcast %add3A_268 : i32 to vector<16xi32>
        %add3A_270 = arith.addi %get3A_93, %add3A_269 : vector<16xi32>
        %gather3A_271 = tpu.vector_load_idx %arg11[%add3A_92, %add3A_270] : memref<256x128xf32, #tpu.memory_space<vmem>>[vector<16xi32>, vector<16xi32>], vector<16xf32>,
        %swap3A_272 = arith.constant 22 : i32
        %swap3A_273 = arith.index_cast %swap3A_272 : i32 to index
        %swap3A_274 = arith.index_cast %multiple_of3A : i32 to index
        %swap3A_275 = tpu.vector_load %arg13[%swap3A_273, %swap3A_274] {strides = array<i32>} : memref<32x256xf32, #tpu.memory_space<vmem>>, vector<16xf32>,
        tpu.vector_store %arg13[%swap3A_273, %swap3A_274], %gather3A_271 {strides = array<i32>} : memref<32x256xf32, #tpu.memory_space<vmem>>, vector<16xf32>,
        %add3A_276 = arith.constant 23 : i32
        %add3A_277 = vector.broadcast %add3A_276 : i32 to vector<16xi32>
        %add3A_278 = arith.addi %get3A_93, %add3A_277 : vector<16xi32>
        %gather3A_279 = tpu.vector_load_idx %arg11[%add3A_92, %add3A_278] : memref<256x128xf32, #tpu.memory_space<vmem>>[vector<16xi32>, vector<16xi32>], vector<16xf32>,
        %swap3A_280 = arith.constant 23 : i32
        %swap3A_281 = arith.index_cast %swap3A_280 : i32 to index
        %swap3A_282 = arith.index_cast %multiple_of3A : i32 to index
        %swap3A_283 = tpu.vector_load %arg13[%swap3A_281, %swap3A_282] {strides = array<i32>} : memref<32x256xf32, #tpu.memory_space<vmem>>, vector<16xf32>,
        tpu.vector_store %arg13[%swap3A_281, %swap3A_282], %gather3A_279 {strides = array<i32>} : memref<32x256xf32, #tpu.memory_space<vmem>>, vector<16xf32>,
        %add3A_284 = arith.constant 24 : i32
        %add3A_285 = vector.broadcast %add3A_284 : i32 to vector<16xi32>
        %add3A_286 = arith.addi %get3A_93, %add3A_285 : vector<16xi32>
        %gather3A_287 = tpu.vector_load_idx %arg11[%add3A_92, %add3A_286] : memref<256x128xf32, #tpu.memory_space<vmem>>[vector<16xi32>, vector<16xi32>], vector<16xf32>,
        %swap3A_288 = arith.constant 24 : i32
        %swap3A_289 = arith.index_cast %swap3A_288 : i32 to index
        %swap3A_290 = arith.index_cast %multiple_of3A : i32 to index
        %swap3A_291 = tpu.vector_load %arg13[%swap3A_289, %swap3A_290] {strides = array<i32>} : memref<32x256xf32, #tpu.memory_space<vmem>>, vector<16xf32>,
        tpu.vector_store %arg13[%swap3A_289, %swap3A_290], %gather3A_287 {strides = array<i32>} : memref<32x256xf32, #tpu.memory_space<vmem>>, vector<16xf32>,
        %add3A_292 = arith.constant 25 : i32
        %add3A_293 = vector.broadcast %add3A_292 : i32 to vector<16xi32>
        %add3A_294 = arith.addi %get3A_93, %add3A_293 : vector<16xi32>
        %gather3A_295 = tpu.vector_load_idx %arg11[%add3A_92, %add3A_294] : memref<256x128xf32, #tpu.memory_space<vmem>>[vector<16xi32>, vector<16xi32>], vector<16xf32>,
        %swap3A_296 = arith.constant 25 : i32
        %swap3A_297 = arith.index_cast %swap3A_296 : i32 to index
        %swap3A_298 = arith.index_cast %multiple_of3A : i32 to index
        %swap3A_299 = tpu.vector_load %arg13[%swap3A_297, %swap3A_298] {strides = array<i32>} : memref<32x256xf32, #tpu.memory_space<vmem>>, vector<16xf32>,
        tpu.vector_store %arg13[%swap3A_297, %swap3A_298], %gather3A_295 {strides = array<i32>} : memref<32x256xf32, #tpu.memory_space<vmem>>, vector<16xf32>,
        %add3A_300 = arith.constant 26 : i32
        %add3A_301 = vector.broadcast %add3A_300 : i32 to vector<16xi32>
        %add3A_302 = arith.addi %get3A_93, %add3A_301 : vector<16xi32>
        %gather3A_303 = tpu.vector_load_idx %arg11[%add3A_92, %add3A_302] : memref<256x128xf32, #tpu.memory_space<vmem>>[vector<16xi32>, vector<16xi32>], vector<16xf32>,
        %swap3A_304 = arith.constant 26 : i32
        %swap3A_305 = arith.index_cast %swap3A_304 : i32 to index
        %swap3A_306 = arith.index_cast %multiple_of3A : i32 to index
        %swap3A_307 = tpu.vector_load %arg13[%swap3A_305, %swap3A_306] {strides = array<i32>} : memref<32x256xf32, #tpu.memory_space<vmem>>, vector<16xf32>,
        tpu.vector_store %arg13[%swap3A_305, %swap3A_306], %gather3A_303 {strides = array<i32>} : memref<32x256xf32, #tpu.memory_space<vmem>>, vector<16xf32>,
        %add3A_308 = arith.constant 27 : i32
        %add3A_309 = vector.broadcast %add3A_308 : i32 to vector<16xi32>
        %add3A_310 = arith.addi %get3A_93, %add3A_309 : vector<16xi32>
        %gather3A_311 = tpu.vector_load_idx %arg11[%add3A_92, %add3A_310] : memref<256x128xf32, #tpu.memory_space<vmem>>[vector<16xi32>, vector<16xi32>], vector<16xf32>,
        %swap3A_312 = arith.constant 27 : i32
        %swap3A_313 = arith.index_cast %swap3A_312 : i32 to index
        %swap3A_314 = arith.index_cast %multiple_of3A : i32 to index
        %swap3A_315 = tpu.vector_load %arg13[%swap3A_313, %swap3A_314] {strides = array<i32>} : memref<32x256xf32, #tpu.memory_space<vmem>>, vector<16xf32>,
        tpu.vector_store %arg13[%swap3A_313, %swap3A_314], %gather3A_311 {strides = array<i32>} : memref<32x256xf32, #tpu.memory_space<vmem>>, vector<16xf32>,
        %add3A_316 = arith.constant 28 : i32
        %add3A_317 = vector.broadcast %add3A_316 : i32 to vector<16xi32>
        %add3A_318 = arith.addi %get3A_93, %add3A_317 : vector<16xi32>
        %gather3A_319 = tpu.vector_load_idx %arg11[%add3A_92, %add3A_318] : memref<256x128xf32, #tpu.memory_space<vmem>>[vector<16xi32>, vector<16xi32>], vector<16xf32>,
        %swap3A_320 = arith.constant 28 : i32
        %swap3A_321 = arith.index_cast %swap3A_320 : i32 to index
        %swap3A_322 = arith.index_cast %multiple_of3A : i32 to index
        %swap3A_323 = tpu.vector_load %arg13[%swap3A_321, %swap3A_322] {strides = array<i32>} : memref<32x256xf32, #tpu.memory_space<vmem>>, vector<16xf32>,
        tpu.vector_store %arg13[%swap3A_321, %swap3A_322], %gather3A_319 {strides = array<i32>} : memref<32x256xf32, #tpu.memory_space<vmem>>, vector<16xf32>,
        %add3A_324 = arith.constant 29 : i32
        %add3A_325 = vector.broadcast %add3A_324 : i32 to vector<16xi32>
        %add3A_326 = arith.addi %get3A_93, %add3A_325 : vector<16xi32>
        %gather3A_327 = tpu.vector_load_idx %arg11[%add3A_92, %add3A_326] : memref<256x128xf32, #tpu.memory_space<vmem>>[vector<16xi32>, vector<16xi32>], vector<16xf32>,
        %swap3A_328 = arith.constant 29 : i32
        %swap3A_329 = arith.index_cast %swap3A_328 : i32 to index
        %swap3A_330 = arith.index_cast %multiple_of3A : i32 to index
        %swap3A_331 = tpu.vector_load %arg13[%swap3A_329, %swap3A_330] {strides = array<i32>} : memref<32x256xf32, #tpu.memory_space<vmem>>, vector<16xf32>,
        tpu.vector_store %arg13[%swap3A_329, %swap3A_330], %gather3A_327 {strides = array<i32>} : memref<32x256xf32, #tpu.memory_space<vmem>>, vector<16xf32>,
        %add3A_332 = arith.constant 30 : i32
        %add3A_333 = vector.broadcast %add3A_332 : i32 to vector<16xi32>
        %add3A_334 = arith.addi %get3A_93, %add3A_333 : vector<16xi32>
        %gather3A_335 = tpu.vector_load_idx %arg11[%add3A_92, %add3A_334] : memref<256x128xf32, #tpu.memory_space<vmem>>[vector<16xi32>, vector<16xi32>], vector<16xf32>,
        %swap3A_336 = arith.constant 30 : i32
        %swap3A_337 = arith.index_cast %swap3A_336 : i32 to index
        %swap3A_338 = arith.index_cast %multiple_of3A : i32 to index
        %swap3A_339 = tpu.vector_load %arg13[%swap3A_337, %swap3A_338] {strides = array<i32>} : memref<32x256xf32, #tpu.memory_space<vmem>>, vector<16xf32>,
        tpu.vector_store %arg13[%swap3A_337, %swap3A_338], %gather3A_335 {strides = array<i32>} : memref<32x256xf32, #tpu.memory_space<vmem>>, vector<16xf32>,
        %add3A_340 = arith.constant 31 : i32
        %add3A_341 = vector.broadcast %add3A_340 : i32 to vector<16xi32>
        %add3A_342 = arith.addi %get3A_93, %add3A_341 : vector<16xi32>
        %gather3A_343 = tpu.vector_load_idx %arg11[%add3A_92, %add3A_342] : memref<256x128xf32, #tpu.memory_space<vmem>>[vector<16xi32>, vector<16xi32>], vector<16xf32>,
        %swap3A_344 = arith.constant 31 : i32
        %swap3A_345 = arith.index_cast %swap3A_344 : i32 to index
        %swap3A_346 = arith.index_cast %multiple_of3A : i32 to index
        %swap3A_347 = tpu.vector_load %arg13[%swap3A_345, %swap3A_346] {strides = array<i32>} : memref<32x256xf32, #tpu.memory_space<vmem>>, vector<16xf32>,
        tpu.vector_store %arg13[%swap3A_345, %swap3A_346], %gather3A_343 {strides = array<i32>} : memref<32x256xf32, #tpu.memory_space<vmem>>, vector<16xf32>,
      }
      %scan3A_77 = arith.constant 16 : i32
      %add3A_78 = arith.constant 256 : i32
      %add3A_79 = arith.addi %mul3A_2, %add3A_78 : i32
      %dma_start3A_80 = arith.constant 0 : i32
      %dma_start3A_81 = tpu.memref_slice %arg4[%scan3A_29, %dma_start3A_80, %add3A_79] : memref<50x32x16384xf32, #tpu.memory_space<hbm>> -> memref<1x32x256xf32, #tpu.memory_space<hbm>>
      %dma_start3A_82 = tpu.memref_squeeze %dma_start3A_81 : memref<1x32x256xf32, #tpu.memory_space<hbm>> -> memref<32x256xf32, #tpu.memory_space<hbm>>
      %dma_start3A_83 = arith.constant 0 : i32
      %dma_start3A_84 = tpu.memref_slice %arg4[%scan3A_29, %dma_start3A_83, %add3A_79] : memref<50x32x16384xf32, #tpu.memory_space<hbm>> -> memref<1x32x256xf32, #tpu.memory_space<hbm>>
      %dma_start3A_85 = tpu.memref_squeeze %dma_start3A_84 : memref<1x32x256xf32, #tpu.memory_space<hbm>> -> memref<32x256xf32, #tpu.memory_space<hbm>>
      tpu.enqueue_dma source(%arg13 : memref<32x256xf32, #tpu.memory_space<vmem>>) target(%dma_start3A_85 : memref<32x256xf32, #tpu.memory_space<hbm>>) target_semaphore(%arg17 : memref<!tpu.dma_semaphore, #tpu.memory_space<semaphore_mem>>)
    }
    %scan3A_15 = arith.constant 50 : i32
    %dma_wait3A = arith.constant 0 : i32
    %dma_wait3A_16 = arith.constant 0 : i32
    %dma_wait3A_17 = tpu.memref_slice %arg4[%dma_wait3A, %dma_wait3A_16, %mul3A_2] : memref<50x32x16384xf32, #tpu.memory_space<hbm>> -> memref<1x32x256xf32, #tpu.memory_space<hbm>>
    %dma_wait3A_18 = tpu.memref_squeeze %dma_wait3A_17 : memref<1x32x256xf32, #tpu.memory_space<hbm>> -> memref<32x256xf32, #tpu.memory_space<hbm>>
    %dma_wait3A_19 = arith.constant 0 : i32
    %dma_wait3A_20 = tpu.memref_slice %arg4[%dma_wait3A, %dma_wait3A_19, %mul3A_2] : memref<50x32x16384xf32, #tpu.memory_space<hbm>> -> memref<1x32x256xf32, #tpu.memory_space<hbm>>
    %dma_wait3A_21 = tpu.memref_squeeze %dma_wait3A_20 : memref<1x32x256xf32, #tpu.memory_space<hbm>> -> memref<32x256xf32, #tpu.memory_space<hbm>>
    tpu.wait_dma2 semaphore(%arg16 : memref<!tpu.dma_semaphore, #tpu.memory_space<semaphore_mem>>) src(%arg12 : memref<32x256xf32, #tpu.memory_space<vmem>>) dst(%dma_wait3A_21 : memref<32x256xf32, #tpu.memory_space<hbm>>)
    %dma_wait3A_22 = arith.constant 0 : i32
    %dma_wait3A_23 = arith.constant 0 : i32
    %dma_wait3A_24 = tpu.memref_slice %arg4[%dma_wait3A_22, %dma_wait3A_23, %mul3A_2] : memref<50x32x16384xf32, #tpu.memory_space<hbm>> -> memref<1x32x256xf32, #tpu.memory_space<hbm>>
    %dma_wait3A_25 = tpu.memref_squeeze %dma_wait3A_24 : memref<1x32x256xf32, #tpu.memory_space<hbm>> -> memref<32x256xf32, #tpu.memory_space<hbm>>
    %dma_wait3A_26 = arith.constant 0 : i32
    %dma_wait3A_27 = tpu.memref_slice %arg4[%dma_wait3A_22, %dma_wait3A_26, %mul3A_2] : memref<50x32x16384xf32, #tpu.memory_space<hbm>> -> memref<1x32x256xf32, #tpu.memory_space<hbm>>
    %dma_wait3A_28 = tpu.memref_squeeze %dma_wait3A_27 : memref<1x32x256xf32, #tpu.memory_space<hbm>> -> memref<32x256xf32, #tpu.memory_space<hbm>>
    tpu.wait_dma2 semaphore(%arg17 : memref<!tpu.dma_semaphore, #tpu.memory_space<semaphore_mem>>) src(%arg13 : memref<32x256xf32, #tpu.memory_space<vmem>>) dst(%dma_wait3A_28 : memref<32x256xf32, #tpu.memory_space<hbm>>)
    return
  }
}

</mosaic_0001>

<sc_bundles>
// kernel: _lookup.3.cloned.1.call-start
scs
__scs_entry_jumppad:
0x0: {  	(pc) =	sbr.rel $0x88, $3  }
0x1: {  	(tag) =	ssettag $0x0;
	lr =	simm.s32 $0x1  }
0x2: {  	[smem:$0x3F9F] =	sst lr;
	_ =	strace $0xD0000000  }
0x3: {  	_ = 	snop  }
0x4: {  	_ = 	snop  }
0x5: {  	_ = 	snop  }
0x6: {  	_ = 	snop  }
0x7: {  	_ = 	snop  }
__scs_overlays_trampoline_lowered:
0x8: {  	[smem:$0x3FAE] =	sst s0  }
0x9: {  	[smem:$0x3FAF] =	sst s1  }
0xa: {  	[smem:$0x3FB0] =	sst s2  }
0xb: {  	[smem:$0x3FB1] =	sst s3  }
0xc: {  	[smem:$0x3FB2] =	sst s4  }
0xd: {  	[smem:$0x3FB3] =	sst s5  }
0xe: {  	[smem:$0x3FB4] =	sst s6  }
0xf: {  	[smem:$0x3FB5] =	sst s7  }
0x10: {  	[smem:$0x3FB6] =	sst s8  }
0x11: {  	[smem:$0x3FB7] =	sst s9;
	s0 =	simm.s32 @!p0 $0x0  }
0x12: {  	s1 =	sld [smem:$0x3F9D];
	s0 =	simm.s32 @p0 $0x1  }
0x13: {  	[smem:$0x3FB8] =	sst s0;
	s0 =	simm.s32 @!p1 $0x0  }
0x14: {  	s2 =	sld [smem:$0x3F9C];
	s0 =	simm.s32 @p1 $0x1  }
0x15: {  	[smem:$0x3FB9] =	sst s0;
	s0 =	simm.s32 @!p2 $0x0  }
0x16: {  	s3 =	sld [smem:$0x3FDB];
	s0 =	simm.s32 @p2 $0x1  }
0x17: {  	s4 =	simm.s32 $0x1BF5;
	[smem:$0x3FBB] =	sst s0  }
0x18: {  	s0 =	sld [smem:$0x3F9E];
	_ =	swait.ge [sflag:s4], $0x0  }
0x19: {  	s7 =	sld [smem:$0x3F9F]  }
0x1a: {  	s8 =	sadd.s32 $0xFFFFE003, lr  }
0x1b: {  	s9 =	sadd.s32 $0xFFFFFEF7, lr;
	s5 =	simm.s32 $0xFFFFFFFF;
	p2 =	slt.u32 s8, $0xFFFFF086  }
0x1c: {  	p1 =	slt.u32 s9, $0xF7A;
	s5 =	simm.s32 @!p2 $0x0  }
0x1d: {  	s5 =	simm.s32 @p1 $0x1;
	p0 =	seq.s32 s7, s2  }
0x1e: {  	s7 =	smul.u32 @!p0 $0xF7A, s2;
	p2 =	seq.s32 @!p0 s5, $0x0  }
0x1f: {  	s9 =	smul.u32 $0xF7A, s1;
	s8 =	simm.s32 @!p0 $0x1BF5;
	p2 =	por !p2, p0  }
0x20: {  	[sflag:s8] =	ssyncset.s32 @!p0 $0xFFFFF086;
	s6 =	sadd.s32 @!p0 s3, s7;
	s7 =	simm.s32 @!p0 $0x108  }
0x21: {  	s3 =	sadd.s32 s3, s9;
	s6 =	sadd.s32 @!p0 $0x88, s6;
	s7 =	simm.s32 @p2 $0x1082  }
0x22: {  	[simem:s7], [sflag:s8] =	dma.local @!p0 [hbm:s6], $0xF7A  }
0x23: {  	s9 =	sor.u32 $0xD0000000, s2;
	s6 =	simm.s32 $0x108;
	_ =	swait.ge @!p0 [sflag:s8], $0x0  }
0x24: {  	s3 =	sadd.s32 $0x88, s3;
	s6 =	simm.s32 @!p1 $0x1082;
	[sflag:s4] =	ssyncset.s32 $0xFFFFF086  }
0x25: {  	[simem:s6], [sflag:s4] =	dma.local [hbm:s3], $0xF7A  }
0x26: {  	[smem:$0x3F9F] =	sst s1;
	(tag) =	ssettag s2;
	_ =	strace s9  }
0x27: {  	s1 =	sld [smem:$0x3FAF]  }
0x28: {  	s2 =	sld [smem:$0x3FB0]  }
0x29: {  	s4 =	sld [smem:$0x3FB2]  }
0x2a: {  	p0 =	seq.s32 s5, $0x0;
	s5 =	sld [smem:$0x3FB3]  }
0x2b: {  	s6 =	sld [smem:$0x3FB4]  }
0x2c: {  	s7 =	sld [smem:$0x3FB5]  }
0x2d: {  	s3 =	simm.s32 $0x108;
	s8 =	sld [smem:$0x3FB6]  }
0x2e: {  	s3 =	simm.s32 @!p0 $0x1082;
	s9 =	sld [smem:$0x3FB7]  }
0x2f: {  	lr =	sadd.s32 s0, s3;
	s0 =	sld [smem:$0x3FAE]  }
0x30: {  	s3 =	sld [smem:$0x3FB1]  }
0x31: {  	[smem:$0x3FBA] =	sst s10  }
0x32: {  	s10 =	sld [smem:$0x3FB8];
	_ =	sdelay $0x3  }
0x33: {  	p0 =	seq.s32 s10, $0x1;
	s10 =	sld [smem:$0x3FBA];
	_ =	sdelay $0x3  }
0x34: {  	[smem:$0x3FBA] =	sst s10  }
0x35: {  	s10 =	sld [smem:$0x3FB9];
	_ =	sdelay $0x3  }
0x36: {  	p1 =	seq.s32 s10, $0x1;
	s10 =	sld [smem:$0x3FBA];
	_ =	sdelay $0x3  }
0x37: {  	[smem:$0x3FBA] =	sst s10  }
0x38: {  	s10 =	sld [smem:$0x3FBB]  }
0x39: {  	_ = 	snop;
	(pc) =	sbr.ind lr, $3  }
0x3a: {  	_ = 	snop  }
0x3b: {  	_ = 	snop  }
0x3c: {  	p2 =	seq.s32 s10, $0x1;
	s10 =	sld [smem:$0x3FBA]  }
0x3d: {  	_ =	shalt  }
0x3e: {  	_ =	shalt  }
0x3f: {  	_ =	shalt  }
0x40: {  	_ =	shalt  }
0x41: {  	_ =	shalt  }
0x42: {  	_ =	shalt  }
0x43: {  	_ =	shalt  }
0x44: {  	_ =	shalt  }
0x45: {  	_ =	shalt  }
0x46: {  	_ =	shalt  }
0x47: {  	_ =	shalt  }
0x48: {  	_ =	shalt  }
0x49: {  	_ =	shalt  }
0x4a: {  	_ =	shalt  }
0x4b: {  	_ =	shalt  }
0x4c: {  	_ =	shalt  }
0x4d: {  	_ =	shalt  }
0x4e: {  	_ =	shalt  }
0x4f: {  	_ =	shalt  }
0x50: {  	_ =	shalt  }
0x51: {  	_ =	shalt  }
0x52: {  	_ =	shalt  }
0x53: {  	_ =	shalt  }
0x54: {  	_ =	shalt  }
0x55: {  	_ =	shalt  }
0x56: {  	_ =	shalt  }
0x57: {  	_ =	shalt  }
0x58: {  	_ =	shalt  }
0x59: {  	_ =	shalt  }
0x5a: {  	_ =	shalt  }
0x5b: {  	_ =	shalt  }
0x5c: {  	_ =	shalt  }
0x5d: {  	_ =	shalt  }
0x5e: {  	_ =	shalt  }
0x5f: {  	_ =	shalt  }
0x60: {  	_ =	shalt  }
0x61: {  	_ =	shalt  }
0x62: {  	_ =	shalt  }
0x63: {  	_ =	shalt  }
0x64: {  	_ =	shalt  }
0x65: {  	_ =	shalt  }
0x66: {  	_ =	shalt  }
0x67: {  	_ =	shalt  }
0x68: {  	_ =	shalt  }
0x69: {  	_ =	shalt  }
0x6a: {  	_ =	shalt  }
0x6b: {  	_ =	shalt  }
0x6c: {  	_ =	shalt  }
0x6d: {  	_ =	shalt  }
0x6e: {  	_ =	shalt  }
0x6f: {  	_ =	shalt  }
0x70: {  	_ =	shalt  }
0x71: {  	_ =	shalt  }
0x72: {  	_ =	shalt  }
0x73: {  	_ =	shalt  }
0x74: {  	_ =	shalt  }
0x75: {  	_ =	shalt  }
0x76: {  	_ =	shalt  }
0x77: {  	_ =	shalt  }
0x78: {  	_ =	shalt  }
0x79: {  	_ =	shalt  }
0x7a: {  	_ =	shalt  }
0x7b: {  	_ =	shalt  }
0x7c: {  	_ =	shalt  }
0x7d: {  	_ =	shalt  }
0x7e: {  	_ =	shalt  }
0x7f: {  	_ =	shalt  }
0x80: {  	_ =	shalt  }
0x81: {  	_ =	shalt  }
0x82: {  	_ =	shalt  }
0x83: {  	_ =	shalt  }
0x84: {  	_ =	shalt  }
0x85: {  	_ =	shalt  }
0x86: {  	_ =	shalt  }
0x87: {  	_ =	shalt  }
.Lfunc_end0:
.L_simem_size_0:
called_computation_lowered:
.L_overlay_start_0:
0x88: {  	s2 =	sld [smem:$0x3FD9]  }
0x89: {  	s3 =	sld [smem:$0x3FFE];
	_ =	sdelay $0x1  }
0x8a: {  	s1 =	srdreg.scid  }
0x8b: {  	s0 =	sand.u32 $0x1, s1  }
0x8c: {  	s18 =	sshll.u32 s0, $0xA;
	s2 =	sadd.s32 s3, s2  }
0x8d: {  	s2 =	sadd.s32 s2, s18  }
0x8e: {  	[smem:$0x3FC6] =	sst s2  }
0x8f: {  	_ = 	snop  }
0x90: {  	s2 =	sld [smem:$0x3FC9]  }
0x91: {  	s19 =	sld [smem:$0x3FC8]  }
0x92: {  	s4 =	sld [smem:$0x3FD0];
	(tm) =	ssettm $0x1  }
0x93: {  	s5 =	sld [smem:$0x3FFB];
	_ =	sdelay $0x3  }
0x94: {  	_ =	strace s5  }
0x95: {  	s5 =	sld [smem:$0x3FFC];
	_ =	sdelay $0x3  }
0x96: {  	_ =	strace s5  }
0x97: {  	s5 =	sld [smem:$0x3FFD];
	_ =	sdelay $0x3  }
0x98: {  	_ =	strace s5  }
0x99: {  	_ =	strace $0x8FFFFFFF  }
0x9a: {  	s20 =	sld [smem:$0x3FDB];
	_ =	sdelay $0x1  }
0x9b: {  	s6 =	simm.s32 $_scs_section_size  }
0x9c: {  	s7 =	simm.s32 $_size__tile_overlayer_lowered;
	s8 =	simm.s32 $_tile_overlayer_lowered  }
0x9d: {  	s23 =	simm.s32 $0x1BFF;
	s22 =	sshll.u32 s8, $0x1;
	s5 =	sadd.s32 s6, s20  }
0x9e: {  	s9 =	simm.s32 $0x0;
	s21 =	sshll.u32 s7, $0x1;
	s7 =	sadd.s32 s22, s5  }
0x9f: {  	[timem:s9], [sflag:s23] =	dma.local [hbm:s7], s21  }
0xa0: {  	_ =	swait.ge [sflag:s23], s21  }
0xa1: {  	s6 =	ssub.s32 $0x0, s21;
	[sflag:s23] =	ssyncset.done $0x0  }
0xa2: {  	[sflag:s23] =	ssyncadd.s32 s6;
	_ =	sdelay $0x1  }
0xa3: {  	s24 =	simm.s32 $0x1B8B  }
0xa4: {  	_ =	swait.ge [sflag:s24], $0x1  }
0xa5: {  	[sflag:s24] =	ssyncset.done $0x0  }
0xa6: {  	s25 =	simm.s32 $0x1B8E;
	[sflag:s24] =	ssyncadd.s32 $0xFFFFFFFF  }
0xa7: {  	s26 =	simm.s32 $execute0_lowered;
	[smem:$0x3FD2] =	sst s25  }
0xa8: {  	s6 =	sshll.u32 s26, $0x1;
	_ =	strace $0x80000046;
	[dreg:$0x1] =	wrdreg $0xFFFFFFFF  }
0xa9: {  	s28 =	simm.s32 $_size_execute0_lowered;
	s5 =	sadd.s32 s5, s6;
	[dreg:$0x0] =	wrdreg $0x0  }
0xaa: {  	s6 =	sshll.u32 s28, $0x1;
	[dreg:$0x2] =	wrdreg s5  }
0xab: {  	[dreg:$0x3] =	wrdreg s6  }
0xac: {  	[dreg:$0x4] =	wrdreg $0xC0  }
0xad: {  	_ =	task [dreg:s9], $0x5FFFF  }
0xae: {  	[dreg:$0x1] =	wrdreg $0xFFFFFFFF  }
0xaf: {  	[dreg:$0x0] =	wrdreg $0x60  }
0xb0: {  	[dreg:$0x2] =	wrdreg s2  }
0xb1: {  	[dreg:$0x3] =	wrdreg s19  }
0xb2: {  	[dreg:$0x4] =	wrdreg s4  }
0xb3: {  	[dreg:$0x5] =	wrdreg $0x9  }
0xb4: {  	_ =	task.clear_ibuf [dreg:s9], $0x6FFFF;
	_ =	strace $0x90000046  }
0xb5: {  	s29 =	simm.s32 $0x9;
	_ =	strace $0x80000048  }
0xb6: {  	_ =	swait.ge [sflag:s29], $0x1  }
0xb7: {  	[sflag:s29] =	ssyncadd.s32 $0xFFFFFFFF  }
0xb8: {  	_ =	strace $0x90000048  }
0xb9: {  	_ =	sfence  }
0xba: {  	s30 =	sld [smem:$0x0];
	_ =	sdelay $0x2  }
0xbb: {  	s31 =	sshll.u32 s1, $0xD;
	s1 =	sshrl.u32 s1, $0x2  }
0xbc: {  	s3 =	sand.u32 $0x4000, s31;
	s1 =	sadd.s32 s1, s30  }
0xbd: {  	s0 =	sor.u32 s3, s0;
	s1 =	sshll.u32 s1, $0x11  }
0xbe: {  	s0 =	sor.u32 s1, s0  }
0xbf: {  	s0 =	sadd.s32 $0x8F2B, s0  }
0xc0: {  	[sflag:s0] =	ssyncadd.remote.s32 $0x1  }
0xc1: {  	_ =	sfence.sel $0xFFFF  }
0xc2: {  	[dreg:$0x0] =	wrdreg $0xFFFFFFFF;
	(pc) =	sbr.abs _section_cstart, $3  }
0xc3: {  	[dreg:$0x1] =	wrdreg $0xFFFFFFFF  }
0xc4: {  	_ =	task.clear_ibuf [dreg:s9], $0x2FFFF;
	_ =	strace $0x9FFFFFFF  }
0xc5: {  	(tm) =	ssettm $0x7FFFFFFF  }
tec
execute0_lowered:
.L_overlay_start_1:
0x0: {  	(tag) =	ssettag $0x1  }
0x1: {  	s0 =	rddreg [dreg:$0x0]  }
0x2: {  	s1 =	rddreg [dreg:$0x1]  }
0x3: {  	s2 =	rddreg [dreg:$0x2]  }
0x4: {  	s3 =	simm.s32 $0x0;
	s4 =	srdreg.scid;
	s30 =	stileid.u32  }
0x5: {  	s9 =	simm.s32 $0x20000;
	s10 =	simm.s32 $0x5;
	s11 =	simm.s32 $0x100  }
0x6: {  	s12 =	simm.s32 $0x7000;
	s13 =	simm.s32 $0x7400;
	s14 =	simm.s32 $0x7100  }
0x7: {  	s15 =	simm.s32 $0xF400;
	s16 =	simm.s32 $0x1;
	s17 =	simm.s32 $0x800  }
0x8: {  	s18 =	simm.s32 $0x17400;
	s19 =	simm.s32 $0x2;
	s20 =	simm.s32 $0x4  }
0x9: {  	s21 =	simm.s32 $0x19400;
	s22 =	simm.s32 $0x3;
	s4 =	sand.u32 $0x1, s4  }
0xa: {  	s6 =	sshll.u32 s30, $0xA;
	s5 =	ssub.s32 $0x2, s4;
	s4 =	sshll.u32 s4, $0x9  }
0xb: {  	[smem:$0x7FF] =	sst s3;
	s7 =	sshrl.u32 s5, $0x1;
	s4 =	sor.u32 s4, s6  }
0xc: {  	_ =	strace $0x80000047;
	s7 =	ssub.s32 s5, s7;
	s0 =	sadd.s32 s0, s4  }
0xd: {  	v0 =	vlaneseq.u32;
	s5 =	sadd.s32 s2, s4;
	[dreg:$0x4] =	wrdreg s0;
	s31 =	smax.u32 s7, $0x1  }
0xe: {  	s23 =	simm.s32 $0x0;
	v0 =	vmul.u32 $0x80, v0;
	s6 =	sadd.s32 $0x100, s5;
	[dreg:$0x5] =	wrdreg s31  }
.LBB2_1:
0xf: {  	s2 =	simm.s32 $0x0;
	s0 =	rddreg [dreg:$0x4];
	s3 =	simm.s32 $0x1000  }
0x10: {  	[tilespmem:s2], [sflag:$0x5] =	stream.strided.gather [hbm4b:s0+s3], $0x7000, s9, s3, $0x38;
	[tilespmem:$0x1B400] =	vst v63  }
0x11: {  	s30 =	sand.u32 $0x1000, s2;
	_ =	swait.ge [sflag:s10], $0x7000  }
0x12: {  	s2 =	sand.u32 $0x70, s2;
	s0 =	sshrl.u32 s30, $0x2;
	[sflag:s10] =	ssyncset.done $0x0  }
0x13: {  	s0 =	sor.u32 s2, s0;
	[sflag:s10] =	ssyncadd.s32 $0xFFFF9000  }
0x14: {  	v1 =	vld [tilespmem:s0+$0x0];
	_ =	sdelay $0x3  }
0x15: {  	s31 =	simm.s32 $0x10;
	s24 =	simm.s32 $0x200;
	s26 =	simm.s32 $0x20  }
0x16: {  	s25 =	simm.s32 $0x7000;
	s4 =	sand.u32 $0x1000, s24;
	s28 =	sand.u32 $0x70, s31;
	v2 =	vshrl.u32 v1, $0x2;
	v1 =	vshll.u32 v1, $0x5  }
0x17: {  	s8 =	sshrl.u32 s4, $0x2;
	s2 =	simm.s32 $0x7210;
	s0 =	simm.s32 $0x7200;
	[tilespmem:s12+$0x0] =	vst v2;
	v1 =	vand.u32 $0x60, v1  }
.LBB2_2:
0x18: {  	s4 =	sor.u32 s28, s8;
	s25 =	sadd.s32 $0x10, s25  }
0x19: {  	[tilespmem:s0+$0x0] =	vst v1;
	s8 =	smov.u32 s26;
	s29 =	sadd.s32 $0x10, s26;
	s0 =	smov.u32 s2  }
0x1a: {  	p0 =	sne.s32 s26, $0xF0;
	v1 =	vld [tilespmem:s4+$0x0];
	_ =	sdelay $0x1  }
.Ltmp0:
0x1b: {  	(pc) =	sbr.rel @p0 .LBB2_2-.Ltmp0, $4  }
0x1c: {  	_ = 	snop  }
0x1d: {  	s24 =	sadd.s32 $0x200, s24  }
0x1e: {  	s2 =	sadd.s32 $0x10, s2;
	s4 =	sand.u32 $0x1000, s24;
	v2 =	vshrl.u32 v1, $0x2;
	v1 =	vshll.u32 v1, $0x5  }
0x1f: {  	s28 =	sand.u32 $0x70, s8;
	s26 =	smov.u32 s29;
	s8 =	sshrl.u32 s4, $0x2;
	[tilespmem:s25+$0x0] =	vst v2;
	v1 =	vand.u32 $0x60, v1  }
0x20: {  	s4 =	sor.u32 s28, s8;
	[tilespmem:s0+$0x0] =	vst v1  }
0x21: {  	v1 =	vld [tilespmem:s4+$0x0];
	_ =	sdelay $0x4  }
0x22: {  	s31 =	sadd.s32 $0x10, s25;
	v2 =	vshrl.u32 v1, $0x2;
	v1 =	vshll.u32 v1, $0x5  }
0x23: {  	[tilespmem:s31+$0x0] =	vst v2;
	v1 =	vand.u32 $0x60, v1  }
0x24: {  	s24 =	simm.s32 $0x0;
	s26 =	simm.s32 $0x0;
	[tilespmem:s2+$0x0] =	vst v1  }
0x25: {  	[tilespmem:s13], [sflag:$0x1] =	stream.indirect.gather [hbm4b:s1+s11], $0x80, s12, s11, $0xb8;
	[tilespmem:$0x1B400] =	vst v63  }
.LBB2_4:
0x26: {  	s0 =	sshll.u32 s26, $0x9  }
0x27: {  	s2 =	sshll.u32 s26, $0x7;
	s4 =	sand.u32 $0x400, s24;
	s0 =	sand.u32 $0x7000, s0  }
0x28: {  	s2 =	sand.u32 $0x380, s2;
	s4 =	sadd.s32 s4, s0  }
0x29: {  	s8 =	sand.u32 $0x70, s24;
	s4 =	sadd.s32 s2, s4  }
0x2a: {  	s4 =	sadd.s32 s8, s4  }
0x2b: {  	v1 =	vld [tilespmem:s4+$0x800];
	_ =	sdelay $0x2  }
0x2c: {  	s28 =	simm.s32 $0x80  }
0x2d: {  	s25 =	simm.s32 $0x7100;
	s29 =	simm.s32 $0x7300;
	s3 =	sand.u32 $0x400, s28  }
0x2e: {  	s7 =	simm.s32 $0x10;
	s31 =	simm.s32 $0x20;
	s4 =	sadd.s32 s3, s0;
	v2 =	vshrl.u32 v1, $0x2;
	v1 =	vshll.u32 v1, $0x5  }
0x2f: {  	s30 =	simm.s32 $0x7310;
	s8 =	sand.u32 $0x70, s7;
	s4 =	sadd.s32 s2, s4;
	[tilespmem:s25+$0x0] =	vst v2;
	v1 =	vand.u32 $0x60, v1  }
.LBB2_5:
0x30: {  	s4 =	sadd.s32 s8, s4;
	s25 =	sadd.s32 $0x10, s25  }
0x31: {  	[tilespmem:s29+$0x0] =	vst v1;
	s8 =	smov.u32 s31;
	s7 =	sadd.s32 $0x10, s31;
	s29 =	smov.u32 s30  }
0x32: {  	p0 =	sne.s32 s31, $0xF0;
	v1 =	vld [tilespmem:s4+$0x800];
	_ =	sdelay $0x1  }
.Ltmp1:
0x33: {  	(pc) =	sbr.rel @p0 .LBB2_5-.Ltmp1, $4  }
0x34: {  	s28 =	sadd.s32 $0x80, s28  }
0x35: {  	s4 =	sand.u32 $0x400, s28  }
0x36: {  	s30 =	sadd.s32 $0x10, s30;
	s4 =	sadd.s32 s4, s0;
	v2 =	vshrl.u32 v1, $0x2;
	v1 =	vshll.u32 v1, $0x5  }
0x37: {  	s8 =	sand.u32 $0x70, s8;
	s31 =	smov.u32 s7;
	s4 =	sadd.s32 s2, s4;
	[tilespmem:s25+$0x0] =	vst v2;
	v1 =	vand.u32 $0x60, v1  }
0x38: {  	s0 =	sadd.s32 s8, s4;
	[tilespmem:s29+$0x0] =	vst v1  }
0x39: {  	v1 =	vld [tilespmem:s0+$0x800];
	_ =	sdelay $0x4  }
0x3a: {  	s7 =	sadd.s32 $0x10, s25;
	v2 =	vshrl.u32 v1, $0x2;
	v1 =	vshll.u32 v1, $0x5  }
0x3b: {  	[tilespmem:s7+$0x0] =	vst v2;
	v1 =	vand.u32 $0x60, v1  }
0x3c: {  	[tilespmem:s30+$0x0] =	vst v1  }
0x3d: {  	[tilespmem:s15], [sflag:$0x2] =	stream.indirect.gather [hbm4b:s1+s11], $0x80, s14, s11, $0xb8;
	[tilespmem:$0x1B400] =	vst v63  }
0x3e: {  	_ =	swait.ge [sflag:s16], $0x8000  }
0x3f: {  	p0 =	seq.s32 s26, $0x0;
	[sflag:s16] =	ssyncset.done $0x0  }
0x40: {  	s0 =	simm.s32 @!p0 $0x3;
	[sflag:s16] =	ssyncadd.s32 $0xFFFF8000  }
0x41: {  	_ =	swait.ge @!p0 [sflag:s0], $0x2000  }
0x42: {  	[sflag:s0] =	ssyncset.done @!p0 $0x0  }
0x43: {  	s25 =	simm.s32 $0x7200;
	[sflag:s0] =	ssyncadd.s32 @!p0 $0xFFFFE000  }
0x44: {  	v1 =	vld [tilespmem:s25+$0x0];
	_ =	sdelay $0x1  }
0x45: {  	s28 =	simm.s32 $0x0  }
0x46: {  	v2 =	vmov s28  }
0x47: {  	v2 =	vshll.u32 v2, $0x7  }
0x48: {  	v2 =	vor.u32 v0, v2;
	v3 =	vand.u32 $0xFFFFFF80, v1  }
0x49: {  	v4 =	vand.u32 $0x7F, v1;
	v3 =	vadd.s32 v2, v3  }
0x4a: {  	v3 =	vor.u32 v4, v3;
	_ =	sdelay $0x2  }
0x4b: {  	v46 =	vadd.s32 $0x1, v1  }
0x4c: {  	v5 =	vand.u32 $0xFFFFFF80, v46  }
0x4d: {  	v5 =	vadd.s32 v2, v5;
	v4 =	vand.u32 $0x7F, v46;
	v3 =	vld.idx.msk [tilespmem:v3+s13+$0x0], $0xffff  }
0x4e: {  	v4 =	vor.u32 v4, v5;
	_ =	sdelay $0x1  }
0x4f: {  	s8 =	sand.u32 $0x70, s28;
	s2 =	sand.u32 $0x400, s28  }
0x50: {  	s29 =	sor.u32 s8, s2;
	v47 =	vadd.s32 $0x2, v1  }
0x51: {  	v6 =	vand.u32 $0xFFFFFF80, v47;
	[tilespmem:s29+$0x17400] =	vst v3  }
0x52: {  	v5 =	vand.u32 $0x7F, v47;
	v3 =	vadd.s32 v2, v6;
	v4 =	vld.idx.msk [tilespmem:v4+s13+$0x0], $0xffff  }
0x53: {  	v3 =	vor.u32 v5, v3;
	_ =	sdelay $0x2  }
0x54: {  	s0 =	sadd.s32 $0x17400, s29;
	v48 =	vadd.s32 $0x3, v1  }
0x55: {  	v49 =	vand.u32 $0xFFFFFF80, v48;
	[tilespmem:s0+$0x80] =	vst v4  }
0x56: {  	v50 =	vadd.s32 v2, v49;
	v5 =	vand.u32 $0x7F, v48;
	v3 =	vld.idx.msk [tilespmem:v3+s13+$0x0], $0xffff  }
0x57: {  	v4 =	vor.u32 v5, v50;
	_ =	sdelay $0x2  }
0x58: {  	v51 =	vadd.s32 $0x4, v1  }
0x59: {  	v52 =	vand.u32 $0xFFFFFF80, v51;
	[tilespmem:s0+$0x100] =	vst v3  }
0x5a: {  	v5 =	vand.u32 $0x7F, v51;
	v3 =	vadd.s32 v2, v52;
	v4 =	vld.idx.msk [tilespmem:v4+s13+$0x0], $0xffff  }
0x5b: {  	v3 =	vor.u32 v5, v3;
	_ =	sdelay $0x2  }
0x5c: {  	v53 =	vadd.s32 $0x5, v1  }
0x5d: {  	v54 =	vand.u32 $0xFFFFFF80, v53;
	[tilespmem:s0+$0x180] =	vst v4  }
0x5e: {  	v55 =	vadd.s32 v2, v54;
	v5 =	vand.u32 $0x7F, v53;
	v3 =	vld.idx.msk [tilespmem:v3+s13+$0x0], $0xffff  }
0x5f: {  	v4 =	vor.u32 v5, v55;
	_ =	sdelay $0x2  }
0x60: {  	v56 =	vadd.s32 $0x6, v1  }
0x61: {  	v57 =	vand.u32 $0xFFFFFF80, v56;
	[tilespmem:s0+$0x200] =	vst v3  }
0x62: {  	v5 =	vand.u32 $0x7F, v56;
	v3 =	vadd.s32 v2, v57;
	v4 =	vld.idx.msk [tilespmem:v4+s13+$0x0], $0xffff  }
0x63: {  	v3 =	vor.u32 v5, v3;
	_ =	sdelay $0x2  }
0x64: {  	v58 =	vadd.s32 $0x7, v1  }
0x65: {  	v59 =	vand.u32 $0xFFFFFF80, v58;
	[tilespmem:s0+$0x280] =	vst v4  }
0x66: {  	v60 =	vadd.s32 v2, v59;
	v5 =	vand.u32 $0x7F, v58;
	v3 =	vld.idx.msk [tilespmem:v3+s13+$0x0], $0xffff  }
0x67: {  	v4 =	vor.u32 v5, v60;
	_ =	sdelay $0x2  }
0x68: {  	v61 =	vadd.s32 $0x8, v1  }
0x69: {  	v62 =	vand.u32 $0xFFFFFF80, v61;
	[tilespmem:s0+$0x300] =	vst v3  }
0x6a: {  	v5 =	vand.u32 $0x7F, v61;
	v3 =	vadd.s32 v2, v62;
	v4 =	vld.idx.msk [tilespmem:v4+s13+$0x0], $0xffff  }
0x6b: {  	v3 =	vor.u32 v5, v3;
	_ =	sdelay $0x1  }
0x6c: {  	s31 =	sor.u32 s28, s28  }
0x6d: {  	v63 =	vadd.s32 $0x9, v1;
	s0 =	sor.u32 $0x380, s31  }
0x6e: {  	v9 =	vand.u32 $0xFFFFFF80, v63;
	[tilespmem:s0+$0x17400] =	vst v4  }
0x6f: {  	v10 =	vadd.s32 v2, v9;
	v5 =	vand.u32 $0x7F, v63;
	v3 =	vld.idx.msk [tilespmem:v3+s13+$0x0], $0xffff  }
0x70: {  	v4 =	vor.u32 v5, v10;
	_ =	sdelay $0x2  }
0x71: {  	v11 =	vadd.s32 $0xA, v1  }
0x72: {  	v12 =	vand.u32 $0xFFFFFF80, v11;
	[tilespmem:s29+$0x17C00] =	vst v3  }
0x73: {  	v5 =	vand.u32 $0x7F, v11;
	v3 =	vadd.s32 v2, v12;
	v4 =	vld.idx.msk [tilespmem:v4+s13+$0x0], $0xffff  }
0x74: {  	v3 =	vor.u32 v5, v3;
	_ =	sdelay $0x2  }
0x75: {  	v13 =	vadd.s32 $0xB, v1  }
0x76: {  	v14 =	vand.u32 $0xFFFFFF80, v13;
	[tilespmem:s29+$0x17C80] =	vst v4  }
0x77: {  	v15 =	vadd.s32 v2, v14;
	v5 =	vand.u32 $0x7F, v13;
	v3 =	vld.idx.msk [tilespmem:v3+s13+$0x0], $0xffff  }
0x78: {  	v4 =	vor.u32 v5, v15;
	_ =	sdelay $0x2  }
0x79: {  	v16 =	vadd.s32 $0xC, v1  }
0x7a: {  	v17 =	vand.u32 $0xFFFFFF80, v16;
	[tilespmem:s29+$0x17D00] =	vst v3  }
0x7b: {  	v5 =	vand.u32 $0x7F, v16;
	v3 =	vadd.s32 v2, v17;
	v4 =	vld.idx.msk [tilespmem:v4+s13+$0x0], $0xffff  }
0x7c: {  	v3 =	vor.u32 v5, v3;
	_ =	sdelay $0x2  }
0x7d: {  	v18 =	vadd.s32 $0xD, v1  }
0x7e: {  	v19 =	vand.u32 $0xFFFFFF80, v18;
	[tilespmem:s29+$0x17D80] =	vst v4  }
0x7f: {  	v20 =	vadd.s32 v2, v19;
	v5 =	vand.u32 $0x7F, v18;
	v3 =	vld.idx.msk [tilespmem:v3+s13+$0x0], $0xffff  }
0x80: {  	v4 =	vor.u32 v5, v20;
	_ =	sdelay $0x2  }
0x81: {  	v21 =	vadd.s32 $0xE, v1  }
0x82: {  	v22 =	vand.u32 $0xFFFFFF80, v21;
	[tilespmem:s29+$0x17E00] =	vst v3  }
0x83: {  	v5 =	vand.u32 $0x7F, v21;
	v3 =	vadd.s32 v2, v22;
	v4 =	vld.idx.msk [tilespmem:v4+s13+$0x0], $0xffff  }
0x84: {  	v3 =	vor.u32 v5, v3;
	_ =	sdelay $0x2  }
0x85: {  	v23 =	vadd.s32 $0xF, v1  }
0x86: {  	v24 =	vand.u32 $0xFFFFFF80, v23;
	[tilespmem:s29+$0x17E80] =	vst v4  }
0x87: {  	v25 =	vadd.s32 v2, v24;
	v5 =	vand.u32 $0x7F, v23;
	v3 =	vld.idx.msk [tilespmem:v3+s13+$0x0], $0xffff  }
0x88: {  	v4 =	vor.u32 v5, v25;
	_ =	sdelay $0x2  }
0x89: {  	v26 =	vadd.s32 $0x10, v1  }
0x8a: {  	v27 =	vand.u32 $0xFFFFFF80, v26;
	[tilespmem:s29+$0x17F00] =	vst v3  }
0x8b: {  	v5 =	vand.u32 $0x7F, v26;
	v3 =	vadd.s32 v2, v27;
	v4 =	vld.idx.msk [tilespmem:v4+s13+$0x0], $0xffff  }
0x8c: {  	v3 =	vor.u32 v5, v3;
	_ =	sdelay $0x2  }
0x8d: {  	v28 =	vadd.s32 $0x11, v1  }
0x8e: {  	v29 =	vand.u32 $0xFFFFFF80, v28;
	[tilespmem:s29+$0x17F80] =	vst v4  }
0x8f: {  	v30 =	vadd.s32 v2, v29;
	v5 =	vand.u32 $0x7F, v28;
	v3 =	vld.idx.msk [tilespmem:v3+s13+$0x0], $0xffff  }
0x90: {  	v4 =	vor.u32 v5, v30;
	_ =	sdelay $0x2  }
0x91: {  	v31 =	vadd.s32 $0x12, v1  }
0x92: {  	v32 =	vand.u32 $0xFFFFFF80, v31;
	[tilespmem:s29+$0x18400] =	vst v3  }
0x93: {  	v5 =	vand.u32 $0x7F, v31;
	v3 =	vadd.s32 v2, v32;
	v4 =	vld.idx.msk [tilespmem:v4+s13+$0x0], $0xffff  }
0x94: {  	v3 =	vor.u32 v5, v3;
	_ =	sdelay $0x2  }
0x95: {  	v33 =	vadd.s32 $0x13, v1  }
0x96: {  	v34 =	vand.u32 $0xFFFFFF80, v33;
	[tilespmem:s29+$0x18480] =	vst v4  }
0x97: {  	v35 =	vadd.s32 v2, v34;
	v5 =	vand.u32 $0x7F, v33;
	v3 =	vld.idx.msk [tilespmem:v3+s13+$0x0], $0xffff  }
0x98: {  	v4 =	vor.u32 v5, v35;
	_ =	sdelay $0x2  }
0x99: {  	v36 =	vadd.s32 $0x14, v1  }
0x9a: {  	v37 =	vand.u32 $0xFFFFFF80, v36;
	[tilespmem:s29+$0x18500] =	vst v3  }
0x9b: {  	v5 =	vand.u32 $0x7F, v36;
	v3 =	vadd.s32 v2, v37;
	v4 =	vld.idx.msk [tilespmem:v4+s13+$0x0], $0xffff  }
0x9c: {  	v3 =	vor.u32 v5, v3;
	_ =	sdelay $0x2  }
0x9d: {  	v38 =	vadd.s32 $0x15, v1  }
0x9e: {  	v39 =	vand.u32 $0xFFFFFF80, v38;
	[tilespmem:s29+$0x18580] =	vst v4  }
0x9f: {  	v40 =	vadd.s32 v2, v39;
	v5 =	vand.u32 $0x7F, v38;
	v3 =	vld.idx.msk [tilespmem:v3+s13+$0x0], $0xffff  }
0xa0: {  	v4 =	vor.u32 v5, v40;
	_ =	sdelay $0x2  }
0xa1: {  	v41 =	vadd.s32 $0x16, v1  }
0xa2: {  	v42 =	vand.u32 $0xFFFFFF80, v41;
	[tilespmem:s29+$0x18600] =	vst v3  }
0xa3: {  	v5 =	vand.u32 $0x7F, v41;
	v3 =	vadd.s32 v2, v42;
	v4 =	vld.idx.msk [tilespmem:v4+s13+$0x0], $0xffff  }
0xa4: {  	v3 =	vor.u32 v5, v3;
	_ =	sdelay $0x2  }
0xa5: {  	v43 =	vadd.s32 $0x17, v1  }
0xa6: {  	v44 =	vand.u32 $0xFFFFFF80, v43;
	[tilespmem:s29+$0x18680] =	vst v4  }
0xa7: {  	v45 =	vadd.s32 v2, v44;
	v5 =	vand.u32 $0x7F, v43;
	v3 =	vld.idx.msk [tilespmem:v3+s13+$0x0], $0xffff  }
0xa8: {  	v4 =	vor.u32 v5, v45;
	_ =	sdelay $0x2  }
0xa9: {  	v46 =	vadd.s32 $0x18, v1  }
0xaa: {  	v47 =	vand.u32 $0xFFFFFF80, v46;
	[tilespmem:s29+$0x18700] =	vst v3  }
0xab: {  	v5 =	vand.u32 $0x7F, v46;
	v3 =	vadd.s32 v2, v47;
	v4 =	vld.idx.msk [tilespmem:v4+s13+$0x0], $0xffff  }
0xac: {  	v3 =	vor.u32 v5, v3;
	_ =	sdelay $0x2  }
0xad: {  	v48 =	vadd.s32 $0x19, v1  }
0xae: {  	v49 =	vand.u32 $0xFFFFFF80, v48;
	[tilespmem:s29+$0x18780] =	vst v4  }
0xaf: {  	v50 =	vadd.s32 v2, v49;
	v5 =	vand.u32 $0x7F, v48;
	v3 =	vld.idx.msk [tilespmem:v3+s13+$0x0], $0xffff  }
0xb0: {  	v4 =	vor.u32 v5, v50;
	_ =	sdelay $0x2  }
0xb1: {  	v51 =	vadd.s32 $0x1A, v1  }
0xb2: {  	v52 =	vand.u32 $0xFFFFFF80, v51;
	[tilespmem:s29+$0x18C00] =	vst v3  }
0xb3: {  	v5 =	vand.u32 $0x7F, v51;
	v3 =	vadd.s32 v2, v52;
	v4 =	vld.idx.msk [tilespmem:v4+s13+$0x0], $0xffff  }
0xb4: {  	v3 =	vor.u32 v5, v3;
	_ =	sdelay $0x2  }
0xb5: {  	v53 =	vadd.s32 $0x1B, v1  }
0xb6: {  	v54 =	vand.u32 $0xFFFFFF80, v53;
	[tilespmem:s29+$0x18C80] =	vst v4  }
0xb7: {  	v55 =	vadd.s32 v2, v54;
	v5 =	vand.u32 $0x7F, v53;
	v3 =	vld.idx.msk [tilespmem:v3+s13+$0x0], $0xffff  }
0xb8: {  	v4 =	vor.u32 v5, v55;
	_ =	sdelay $0x2  }
0xb9: {  	v56 =	vadd.s32 $0x1C, v1  }
0xba: {  	v57 =	vand.u32 $0xFFFFFF80, v56;
	[tilespmem:s29+$0x18D00] =	vst v3  }
0xbb: {  	v5 =	vand.u32 $0x7F, v56;
	v3 =	vadd.s32 v2, v57;
	v4 =	vld.idx.msk [tilespmem:v4+s13+$0x0], $0xffff  }
0xbc: {  	v3 =	vor.u32 v5, v3;
	_ =	sdelay $0x2  }
0xbd: {  	v58 =	vadd.s32 $0x1D, v1  }
0xbe: {  	v59 =	vand.u32 $0xFFFFFF80, v58;
	[tilespmem:s29+$0x18D80] =	vst v4  }
0xbf: {  	v60 =	vadd.s32 v2, v59;
	v5 =	vand.u32 $0x7F, v58;
	v3 =	vld.idx.msk [tilespmem:v3+s13+$0x0], $0xffff  }
0xc0: {  	v4 =	vor.u32 v5, v60;
	_ =	sdelay $0x2  }
0xc1: {  	v61 =	vadd.s32 $0x1E, v1  }
0xc2: {  	v62 =	vand.u32 $0xFFFFFF80, v61;
	[tilespmem:s29+$0x18E00] =	vst v3  }
0xc3: {  	v5 =	vand.u32 $0x7F, v61;
	v3 =	vadd.s32 v2, v62;
	v4 =	vld.idx.msk [tilespmem:v4+s13+$0x0], $0xffff  }
0xc4: {  	v3 =	vor.u32 v5, v3;
	_ =	sdelay $0x2  }
0xc5: {  	v1 =	vadd.s32 $0x1F, v1  }
0xc6: {  	v63 =	vand.u32 $0xFFFFFF80, v1;
	[tilespmem:s29+$0x18E80] =	vst v4  }
0xc7: {  	v1 =	vand.u32 $0x7F, v1;
	v2 =	vadd.s32 v2, v63;
	v3 =	vld.idx.msk [tilespmem:v3+s13+$0x0], $0xffff  }
0xc8: {  	v1 =	vor.u32 v1, v2;
	_ =	sdelay $0x3  }
0xc9: {  	[tilespmem:s29+$0x18F00] =	vst v3  }
0xca: {  	s30 =	simm.s32 $0x10;
	v1 =	vld.idx.msk [tilespmem:v1+s13+$0x0], $0xffff  }
.LBB2_7:
0xcb: {  	_ =	sdelay $0x3  }
0xcc: {  	p1 =	sne.s32 s30, $0xF0;
	s28 =	sadd.s32 $0x80, s28;
	s25 =	sadd.s32 $0x10, s25;
	[tilespmem:s29+$0x18F80] =	vst v1  }
0xcd: {  	s31 =	smov.u32 s30;
	s30 =	sadd.s32 $0x10, s30;
	v1 =	vld [tilespmem:s25+$0x0];
	_ =	sdelay $0x2  }
0xce: {  	v2 =	vmov s31  }
0xcf: {  	v2 =	vshll.u32 v2, $0x7  }
0xd0: {  	v2 =	vor.u32 v0, v2;
	v3 =	vand.u32 $0xFFFFFF80, v1;
	v4 =	vadd.s32 $0x1, v1  }
0xd1: {  	v5 =	vand.u32 $0x7F, v1;
	v3 =	vadd.s32 v2, v3;
	v6 =	vand.u32 $0xFFFFFF80, v4  }
0xd2: {  	v3 =	vor.u32 v5, v3;
	v5 =	vadd.s32 v2, v6;
	v6 =	vadd.s32 $0x2, v1  }
0xd3: {  	v8 =	vadd.s32 $0x3, v1;
	v10 =	vadd.s32 $0x4, v1;
	v7 =	vand.u32 $0xFFFFFF80, v6  }
0xd4: {  	v9 =	vand.u32 $0xFFFFFF80, v8;
	v11 =	vand.u32 $0xFFFFFF80, v10;
	v7 =	vadd.s32 v2, v7  }
0xd5: {  	v53 =	vadd.s32 $0x5, v1;
	v9 =	vadd.s32 v2, v9;
	v11 =	vadd.s32 v2, v11  }
0xd6: {  	v51 =	vadd.s32 $0x6, v1;
	v47 =	vadd.s32 $0x7, v1;
	v12 =	vand.u32 $0xFFFFFF80, v53  }
0xd7: {  	v13 =	vand.u32 $0xFFFFFF80, v47;
	v54 =	vadd.s32 v2, v12;
	v12 =	vand.u32 $0xFFFFFF80, v51;
	v3 =	vld.idx.msk [tilespmem:v3+s13+$0x0], $0xffff  }
0xd8: {  	v4 =	vand.u32 $0x7F, v4;
	v49 =	vadd.s32 v2, v13;
	v52 =	vadd.s32 v2, v12  }
0xd9: {  	v48 =	vadd.s32 $0x8, v1;
	v44 =	vadd.s32 $0x9, v1;
	v4 =	vor.u32 v4, v5  }
0xda: {  	v42 =	vadd.s32 $0xA, v1;
	v5 =	vand.u32 $0xFFFFFF80, v48;
	v12 =	vand.u32 $0xFFFFFF80, v44  }
0xdb: {  	s0 =	sand.u32 $0x70, s31;
	s2 =	sand.u32 $0x400, s28;
	v50 =	vadd.s32 v2, v5;
	v46 =	vadd.s32 v2, v12;
	v5 =	vand.u32 $0xFFFFFF80, v42  }
0xdc: {  	s29 =	sor.u32 s0, s2;
	v41 =	vadd.s32 $0xB, v1;
	v38 =	vadd.s32 $0xC, v1;
	v45 =	vadd.s32 v2, v5  }
0xdd: {  	v36 =	vadd.s32 $0xD, v1;
	v5 =	vand.u32 $0xFFFFFF80, v38;
	[tilespmem:s29+$0x17400] =	vst v3;
	v3 =	vand.u32 $0xFFFFFF80, v41  }
0xde: {  	v40 =	vadd.s32 v2, v5;
	v4 =	vld.idx.msk [tilespmem:v4+s13+$0x0], $0xffff;
	v43 =	vadd.s32 v2, v3;
	v3 =	vand.u32 $0xFFFFFF80, v36  }
0xdf: {  	v35 =	vadd.s32 $0xE, v1;
	v5 =	vand.u32 $0x7F, v6;
	v39 =	vadd.s32 v2, v3  }
0xe0: {  	v33 =	vadd.s32 $0xF, v1;
	v3 =	vor.u32 v5, v7;
	v5 =	vand.u32 $0xFFFFFF80, v35  }
0xe1: {  	v31 =	vadd.s32 $0x10, v1;
	v37 =	vadd.s32 v2, v5;
	v5 =	vand.u32 $0xFFFFFF80, v33  }
0xe2: {  	v28 =	vadd.s32 $0x11, v1;
	v34 =	vadd.s32 v2, v5;
	v5 =	vand.u32 $0xFFFFFF80, v31  }
0xe3: {  	s0 =	sadd.s32 $0x17400, s29;
	v26 =	vadd.s32 $0x12, v1;
	v32 =	vadd.s32 v2, v5;
	v5 =	vand.u32 $0xFFFFFF80, v28  }
0xe4: {  	v25 =	vadd.s32 $0x13, v1;
	v30 =	vadd.s32 v2, v5;
	[tilespmem:s0+$0x80] =	vst v4;
	v4 =	vand.u32 $0xFFFFFF80, v26  }
0xe5: {  	v22 =	vadd.s32 $0x14, v1;
	v3 =	vld.idx.msk [tilespmem:v3+s13+$0x0], $0xffff;
	v29 =	vadd.s32 v2, v4;
	v4 =	vand.u32 $0xFFFFFF80, v25  }
0xe6: {  	v5 =	vand.u32 $0x7F, v8;
	v27 =	vadd.s32 v2, v4;
	v4 =	vand.u32 $0xFFFFFF80, v22  }
0xe7: {  	v21 =	vadd.s32 $0x15, v1;
	v5 =	vor.u32 v5, v9;
	v24 =	vadd.s32 v2, v4  }
0xe8: {  	v19 =	vadd.s32 $0x16, v1;
	v16 =	vadd.s32 $0x17, v1;
	v4 =	vand.u32 $0xFFFFFF80, v21  }
0xe9: {  	v6 =	vand.u32 $0xFFFFFF80, v16;
	v23 =	vadd.s32 v2, v4;
	v4 =	vand.u32 $0xFFFFFF80, v19  }
0xea: {  	v14 =	vadd.s32 $0x18, v1;
	v18 =	vadd.s32 v2, v6;
	v20 =	vadd.s32 v2, v4  }
0xeb: {  	v13 =	vadd.s32 $0x19, v1;
	v9 =	vadd.s32 $0x1A, v1;
	[tilespmem:s0+$0x100] =	vst v3;
	v3 =	vand.u32 $0xFFFFFF80, v14  }
0xec: {  	v4 =	vand.u32 $0xFFFFFF80, v9;
	v5 =	vld.idx.msk [tilespmem:v5+s13+$0x0], $0xffff;
	v17 =	vadd.s32 v2, v3;
	v3 =	vand.u32 $0xFFFFFF80, v13  }
0xed: {  	v6 =	vand.u32 $0x7F, v10;
	v12 =	vadd.s32 v2, v4;
	v15 =	vadd.s32 v2, v3  }
0xee: {  	v10 =	vadd.s32 $0x1B, v1;
	v55 =	vor.u32 v6, v11;
	v7 =	vadd.s32 $0x1C, v1  }
0xef: {  	v6 =	vand.u32 $0xFFFFFF80, v7;
	v4 =	vadd.s32 $0x1D, v1;
	v3 =	vand.u32 $0xFFFFFF80, v10  }
0xf0: {  	v8 =	vadd.s32 v2, v6;
	v11 =	vadd.s32 v2, v3;
	v3 =	vand.u32 $0xFFFFFF80, v4  }
0xf1: {  	v6 =	vadd.s32 v2, v3;
	v3 =	vadd.s32 $0x1E, v1;
	v1 =	vadd.s32 $0x1F, v1  }
0xf2: {  	v56 =	vand.u32 $0xFFFFFF80, v1;
	[tilespmem:s0+$0x180] =	vst v5;
	v5 =	vand.u32 $0xFFFFFF80, v3  }
0xf3: {  	v55 =	vld.idx.msk [tilespmem:v55+s13+$0x0], $0xffff;
	v5 =	vadd.s32 v2, v5;
	v2 =	vadd.s32 v2, v56  }
0xf4: {  	v53 =	vand.u32 $0x7F, v53  }
0xf5: {  	v53 =	vor.u32 v53, v54;
	_ =	sdelay $0x3  }
0xf6: {  	[tilespmem:s0+$0x200] =	vst v55  }
0xf7: {  	v53 =	vld.idx.msk [tilespmem:v53+s13+$0x0], $0xffff  }
0xf8: {  	v51 =	vand.u32 $0x7F, v51  }
0xf9: {  	v51 =	vor.u32 v51, v52;
	_ =	sdelay $0x3  }
0xfa: {  	[tilespmem:s0+$0x280] =	vst v53  }
0xfb: {  	v51 =	vld.idx.msk [tilespmem:v51+s13+$0x0], $0xffff  }
0xfc: {  	v47 =	vand.u32 $0x7F, v47  }
0xfd: {  	v47 =	vor.u32 v47, v49;
	_ =	sdelay $0x3  }
0xfe: {  	[tilespmem:s0+$0x300] =	vst v51  }
0xff: {  	v47 =	vld.idx.msk [tilespmem:v47+s13+$0x0], $0xffff  }
0x100: {  	v48 =	vand.u32 $0x7F, v48  }
0x101: {  	v48 =	vor.u32 v48, v50;
	_ =	sdelay $0x1  }
0x102: {  	s0 =	sor.u32 s28, s31  }
0x103: {  	s0 =	sor.u32 $0x380, s0  }
0x104: {  	[tilespmem:s0+$0x17400] =	vst v47  }
0x105: {  	v47 =	vld.idx.msk [tilespmem:v48+s13+$0x0], $0xffff  }
0x106: {  	v44 =	vand.u32 $0x7F, v44  }
0x107: {  	v44 =	vor.u32 v44, v46;
	_ =	sdelay $0x3  }
0x108: {  	[tilespmem:s29+$0x17C00] =	vst v47  }
0x109: {  	v44 =	vld.idx.msk [tilespmem:v44+s13+$0x0], $0xffff  }
0x10a: {  	v42 =	vand.u32 $0x7F, v42  }
0x10b: {  	v42 =	vor.u32 v42, v45;
	_ =	sdelay $0x3  }
0x10c: {  	[tilespmem:s29+$0x17C80] =	vst v44  }
0x10d: {  	v42 =	vld.idx.msk [tilespmem:v42+s13+$0x0], $0xffff  }
0x10e: {  	v41 =	vand.u32 $0x7F, v41  }
0x10f: {  	v41 =	vor.u32 v41, v43;
	_ =	sdelay $0x3  }
0x110: {  	[tilespmem:s29+$0x17D00] =	vst v42  }
0x111: {  	v41 =	vld.idx.msk [tilespmem:v41+s13+$0x0], $0xffff  }
0x112: {  	v38 =	vand.u32 $0x7F, v38  }
0x113: {  	v38 =	vor.u32 v38, v40;
	_ =	sdelay $0x3  }
0x114: {  	[tilespmem:s29+$0x17D80] =	vst v41  }
0x115: {  	v38 =	vld.idx.msk [tilespmem:v38+s13+$0x0], $0xffff  }
0x116: {  	v36 =	vand.u32 $0x7F, v36  }
0x117: {  	v36 =	vor.u32 v36, v39;
	_ =	sdelay $0x3  }
0x118: {  	[tilespmem:s29+$0x17E00] =	vst v38  }
0x119: {  	v36 =	vld.idx.msk [tilespmem:v36+s13+$0x0], $0xffff  }
0x11a: {  	v35 =	vand.u32 $0x7F, v35  }
0x11b: {  	v35 =	vor.u32 v35, v37;
	_ =	sdelay $0x3  }
0x11c: {  	[tilespmem:s29+$0x17E80] =	vst v36  }
0x11d: {  	v35 =	vld.idx.msk [tilespmem:v35+s13+$0x0], $0xffff  }
0x11e: {  	v33 =	vand.u32 $0x7F, v33  }
0x11f: {  	v33 =	vor.u32 v33, v34;
	_ =	sdelay $0x3  }
0x120: {  	[tilespmem:s29+$0x17F00] =	vst v35  }
0x121: {  	v33 =	vld.idx.msk [tilespmem:v33+s13+$0x0], $0xffff  }
0x122: {  	v31 =	vand.u32 $0x7F, v31  }
0x123: {  	v31 =	vor.u32 v31, v32;
	_ =	sdelay $0x3  }
0x124: {  	[tilespmem:s29+$0x17F80] =	vst v33  }
0x125: {  	v31 =	vld.idx.msk [tilespmem:v31+s13+$0x0], $0xffff  }
0x126: {  	v28 =	vand.u32 $0x7F, v28  }
0x127: {  	v28 =	vor.u32 v28, v30;
	_ =	sdelay $0x3  }
0x128: {  	[tilespmem:s29+$0x18400] =	vst v31  }
0x129: {  	v28 =	vld.idx.msk [tilespmem:v28+s13+$0x0], $0xffff  }
0x12a: {  	v26 =	vand.u32 $0x7F, v26  }
0x12b: {  	v26 =	vor.u32 v26, v29;
	_ =	sdelay $0x3  }
0x12c: {  	[tilespmem:s29+$0x18480] =	vst v28  }
0x12d: {  	v26 =	vld.idx.msk [tilespmem:v26+s13+$0x0], $0xffff  }
0x12e: {  	v25 =	vand.u32 $0x7F, v25  }
0x12f: {  	v25 =	vor.u32 v25, v27;
	_ =	sdelay $0x3  }
0x130: {  	[tilespmem:s29+$0x18500] =	vst v26  }
0x131: {  	v25 =	vld.idx.msk [tilespmem:v25+s13+$0x0], $0xffff  }
0x132: {  	v22 =	vand.u32 $0x7F, v22  }
0x133: {  	v22 =	vor.u32 v22, v24;
	_ =	sdelay $0x3  }
0x134: {  	[tilespmem:s29+$0x18580] =	vst v25  }
0x135: {  	v22 =	vld.idx.msk [tilespmem:v22+s13+$0x0], $0xffff  }
0x136: {  	v21 =	vand.u32 $0x7F, v21  }
0x137: {  	v21 =	vor.u32 v21, v23;
	_ =	sdelay $0x3  }
0x138: {  	[tilespmem:s29+$0x18600] =	vst v22  }
0x139: {  	v21 =	vld.idx.msk [tilespmem:v21+s13+$0x0], $0xffff  }
0x13a: {  	v19 =	vand.u32 $0x7F, v19  }
0x13b: {  	v19 =	vor.u32 v19, v20;
	_ =	sdelay $0x3  }
0x13c: {  	[tilespmem:s29+$0x18680] =	vst v21  }
0x13d: {  	v19 =	vld.idx.msk [tilespmem:v19+s13+$0x0], $0xffff  }
0x13e: {  	v16 =	vand.u32 $0x7F, v16  }
0x13f: {  	v16 =	vor.u32 v16, v18;
	_ =	sdelay $0x3  }
0x140: {  	[tilespmem:s29+$0x18700] =	vst v19  }
0x141: {  	v16 =	vld.idx.msk [tilespmem:v16+s13+$0x0], $0xffff  }
0x142: {  	v14 =	vand.u32 $0x7F, v14  }
0x143: {  	v14 =	vor.u32 v14, v17;
	_ =	sdelay $0x3  }
0x144: {  	[tilespmem:s29+$0x18780] =	vst v16  }
0x145: {  	v14 =	vld.idx.msk [tilespmem:v14+s13+$0x0], $0xffff  }
0x146: {  	v13 =	vand.u32 $0x7F, v13  }
0x147: {  	v13 =	vor.u32 v13, v15;
	_ =	sdelay $0x3  }
0x148: {  	[tilespmem:s29+$0x18C00] =	vst v14  }
0x149: {  	v13 =	vld.idx.msk [tilespmem:v13+s13+$0x0], $0xffff  }
0x14a: {  	v9 =	vand.u32 $0x7F, v9  }
0x14b: {  	v9 =	vor.u32 v9, v12;
	_ =	sdelay $0x3  }
0x14c: {  	[tilespmem:s29+$0x18C80] =	vst v13  }
0x14d: {  	v9 =	vld.idx.msk [tilespmem:v9+s13+$0x0], $0xffff  }
0x14e: {  	v10 =	vand.u32 $0x7F, v10  }
0x14f: {  	v10 =	vor.u32 v10, v11;
	_ =	sdelay $0x3  }
0x150: {  	[tilespmem:s29+$0x18D00] =	vst v9  }
0x151: {  	v9 =	vld.idx.msk [tilespmem:v10+s13+$0x0], $0xffff  }
0x152: {  	v7 =	vand.u32 $0x7F, v7  }
0x153: {  	v7 =	vor.u32 v7, v8;
	_ =	sdelay $0x3  }
0x154: {  	[tilespmem:s29+$0x18D80] =	vst v9  }
0x155: {  	v7 =	vld.idx.msk [tilespmem:v7+s13+$0x0], $0xffff  }
0x156: {  	v4 =	vand.u32 $0x7F, v4  }
0x157: {  	v4 =	vor.u32 v4, v6;
	_ =	sdelay $0x3  }
0x158: {  	[tilespmem:s29+$0x18E00] =	vst v7  }
0x159: {  	v4 =	vld.idx.msk [tilespmem:v4+s13+$0x0], $0xffff  }
0x15a: {  	v3 =	vand.u32 $0x7F, v3  }
0x15b: {  	v3 =	vor.u32 v3, v5;
	_ =	sdelay $0x3  }
0x15c: {  	[tilespmem:s29+$0x18E80] =	vst v4  }
0x15d: {  	v3 =	vld.idx.msk [tilespmem:v3+s13+$0x0], $0xffff  }
0x15e: {  	v1 =	vand.u32 $0x7F, v1  }
0x15f: {  	v1 =	vor.u32 v1, v2  }
.Ltmp2:
0x160: {  	(pc) =	sbr.rel @p1 .LBB2_7-.Ltmp2, $3  }
0x161: {  	_ =	sdelay $0x1  }
0x162: {  	[tilespmem:s29+$0x18F00] =	vst v3  }
0x163: {  	v1 =	vld.idx.msk [tilespmem:v1+s13+$0x0], $0xffff  }
0x164: {  	p1 =	seq.s32 s26, $0x31  }
.Ltmp3:
0x165: {  	_ = 	snop;
	(pc) =	sbr.rel @!p1 .LBB2_9-.Ltmp3, $4  }
0x166: {  	_ = 	snop  }
0x167: {  	s25 =	sshll.u32 s26, $0x10  }
0x168: {  	s26 =	sadd.s32 $0x1, s26;
	s0 =	sadd.s32 s25, s5;
	[tilespmem:s29+$0x18F80] =	vst v1  }
0x169: {  	[hbm4b:s0+s17] =	stream.strided.scatter [tilespmem:s18], [sflag:$0x3], $0x2000, s9, s17, $0x38;
	[tilespmem:$0x1B400] =	vst v63  }
.Ltmp4:
0x16a: {  	(pc) =	sbr.rel .LBB2_12-.Ltmp4, $4  }
0x16b: {  	_ = 	snop  }
0x16c: {  	_ =	swait.ge [sflag:s19], $0x8000  }
0x16d: {  	[sflag:s19] =	ssyncset.done $0x0  }
0x16e: {  	[sflag:s19] =	ssyncadd.s32 $0xFFFF8000  }
.LBB2_9:
0x16f: {  	s0 =	sshll.u32 s26, $0x9;
	s2 =	sshll.u32 s26, $0x7;
	s4 =	simm.s32 $0x0  }
0x170: {  	s0 =	sand.u32 $0xF000, s0;
	s2 =	sand.u32 $0x380, s2;
	s7 =	sand.u32 $0x1000, s4  }
0x171: {  	s2 =	sor.u32 s2, s0;
	s7 =	sshrl.u32 s7, $0x2  }
0x172: {  	s4 =	sand.u32 $0x70, s4;
	s7 =	sadd.s32 s7, s2  }
0x173: {  	s4 =	sadd.s32 s4, s7  }
0x174: {  	v1 =	vld [tilespmem:s4+$0x0];
	_ =	sdelay $0x2  }
0x175: {  	s29 =	simm.s32 $0x200  }
0x176: {  	s28 =	simm.s32 $0x7200;
	s8 =	simm.s32 $0x10;
	s7 =	sand.u32 $0x1000, s29  }
0x177: {  	s31 =	simm.s32 $0x20;
	s0 =	simm.s32 $0x7000;
	s4 =	sshrl.u32 s7, $0x2;
	v2 =	vshrl.u32 v1, $0x2;
	v1 =	vshll.u32 v1, $0x5  }
0x178: {  	s30 =	simm.s32 $0x7210;
	s8 =	sand.u32 $0x70, s8;
	s4 =	sadd.s32 s4, s2;
	[tilespmem:s0+$0x0] =	vst v2;
	v1 =	vand.u32 $0x60, v1  }
.LBB2_10:
0x179: {  	s4 =	sadd.s32 s8, s4;
	s0 =	sadd.s32 $0x10, s0  }
0x17a: {  	[tilespmem:s28+$0x0] =	vst v1;
	s7 =	smov.u32 s31;
	s3 =	sadd.s32 $0x10, s31;
	s28 =	smov.u32 s30  }
0x17b: {  	p1 =	sne.s32 s31, $0xF0;
	v1 =	vld [tilespmem:s4+$0x0];
	_ =	sdelay $0x1  }
.Ltmp5:
0x17c: {  	(pc) =	sbr.rel @p1 .LBB2_10-.Ltmp5, $4  }
0x17d: {  	s29 =	sadd.s32 $0x200, s29  }
0x17e: {  	s4 =	sand.u32 $0x1000, s29  }
0x17f: {  	s30 =	sadd.s32 $0x10, s30;
	s4 =	sshrl.u32 s4, $0x2;
	v2 =	vshrl.u32 v1, $0x2;
	v1 =	vshll.u32 v1, $0x5  }
0x180: {  	s8 =	sand.u32 $0x70, s7;
	s31 =	smov.u32 s3;
	s4 =	sadd.s32 s4, s2;
	[tilespmem:s0+$0x0] =	vst v2;
	v1 =	vand.u32 $0x60, v1  }
0x181: {  	s2 =	sadd.s32 s8, s4;
	[tilespmem:s28+$0x0] =	vst v1  }
0x182: {  	v1 =	vld [tilespmem:s2+$0x0];
	_ =	sdelay $0x4  }
0x183: {  	s0 =	sadd.s32 $0x10, s0;
	v2 =	vshrl.u32 v1, $0x2;
	v1 =	vshll.u32 v1, $0x5  }
0x184: {  	[tilespmem:s0+$0x0] =	vst v2;
	v1 =	vand.u32 $0x60, v1  }
.Ltmp6:
0x185: {  	[tilespmem:s30+$0x0] =	vst v1;
	(pc) =	sbr.rel @p0 .LBB2_13-.Ltmp6, $4  }
0x186: {  	[tilespmem:s13], [sflag:$0x1] =	stream.indirect.gather [hbm4b:s1+s11], $0x80, s12, s11, $0xb8;
	[tilespmem:$0x1B400] =	vst v63  }
0x187: {  	_ =	swait.ge [sflag:s19], $0x8000  }
0x188: {  	[sflag:s19] =	ssyncset.done $0x0  }
0x189: {  	[sflag:s19] =	ssyncadd.s32 $0xFFFF8000  }
.LBB2_12:
0x18a: {  	_ =	swait.ge [sflag:s20], $0x2000  }
0x18b: {  	[sflag:s20] =	ssyncset.done $0x0  }
0x18c: {  	[sflag:s20] =	ssyncadd.s32 $0xFFFFE000  }
.LBB2_13:
0x18d: {  	s28 =	simm.s32 $0x7300  }
0x18e: {  	v1 =	vld [tilespmem:s28+$0x0];
	_ =	sdelay $0x1  }
0x18f: {  	s29 =	simm.s32 $0x0  }
0x190: {  	v2 =	vmov s29  }
0x191: {  	v2 =	vshll.u32 v2, $0x7  }
0x192: {  	v2 =	vor.u32 v0, v2;
	v3 =	vand.u32 $0xFFFFFF80, v1  }
0x193: {  	v4 =	vand.u32 $0x7F, v1;
	v3 =	vadd.s32 v2, v3  }
0x194: {  	v3 =	vor.u32 v4, v3;
	_ =	sdelay $0x2  }
0x195: {  	v46 =	vadd.s32 $0x1, v1  }
0x196: {  	v5 =	vand.u32 $0xFFFFFF80, v46  }
0x197: {  	v5 =	vadd.s32 v2, v5;
	v4 =	vand.u32 $0x7F, v46;
	v3 =	vld.idx.msk [tilespmem:v3+s15+$0x0], $0xffff  }
0x198: {  	v4 =	vor.u32 v4, v5;
	_ =	sdelay $0x1  }
0x199: {  	s0 =	sand.u32 $0x70, s29;
	s2 =	sand.u32 $0x400, s29  }
0x19a: {  	s30 =	sor.u32 s0, s2;
	v47 =	vadd.s32 $0x2, v1  }
0x19b: {  	v6 =	vand.u32 $0xFFFFFF80, v47;
	[tilespmem:s30+$0x19400] =	vst v3  }
0x19c: {  	v5 =	vand.u32 $0x7F, v47;
	v3 =	vadd.s32 v2, v6;
	v4 =	vld.idx.msk [tilespmem:v4+s15+$0x0], $0xffff  }
0x19d: {  	v3 =	vor.u32 v5, v3;
	_ =	sdelay $0x2  }
0x19e: {  	s0 =	sadd.s32 $0x19400, s30;
	v48 =	vadd.s32 $0x3, v1  }
0x19f: {  	v49 =	vand.u32 $0xFFFFFF80, v48;
	[tilespmem:s0+$0x80] =	vst v4  }
0x1a0: {  	v50 =	vadd.s32 v2, v49;
	v5 =	vand.u32 $0x7F, v48;
	v3 =	vld.idx.msk [tilespmem:v3+s15+$0x0], $0xffff  }
0x1a1: {  	v4 =	vor.u32 v5, v50;
	_ =	sdelay $0x2  }
0x1a2: {  	v51 =	vadd.s32 $0x4, v1  }
0x1a3: {  	v52 =	vand.u32 $0xFFFFFF80, v51;
	[tilespmem:s0+$0x100] =	vst v3  }
0x1a4: {  	v5 =	vand.u32 $0x7F, v51;
	v3 =	vadd.s32 v2, v52;
	v4 =	vld.idx.msk [tilespmem:v4+s15+$0x0], $0xffff  }
0x1a5: {  	v3 =	vor.u32 v5, v3;
	_ =	sdelay $0x2  }
0x1a6: {  	v53 =	vadd.s32 $0x5, v1  }
0x1a7: {  	v54 =	vand.u32 $0xFFFFFF80, v53;
	[tilespmem:s0+$0x180] =	vst v4  }
0x1a8: {  	v55 =	vadd.s32 v2, v54;
	v5 =	vand.u32 $0x7F, v53;
	v3 =	vld.idx.msk [tilespmem:v3+s15+$0x0], $0xffff  }
0x1a9: {  	v4 =	vor.u32 v5, v55;
	_ =	sdelay $0x2  }
0x1aa: {  	v56 =	vadd.s32 $0x6, v1  }
0x1ab: {  	v57 =	vand.u32 $0xFFFFFF80, v56;
	[tilespmem:s0+$0x200] =	vst v3  }
0x1ac: {  	v5 =	vand.u32 $0x7F, v56;
	v3 =	vadd.s32 v2, v57;
	v4 =	vld.idx.msk [tilespmem:v4+s15+$0x0], $0xffff  }
0x1ad: {  	v3 =	vor.u32 v5, v3;
	_ =	sdelay $0x2  }
0x1ae: {  	v58 =	vadd.s32 $0x7, v1  }
0x1af: {  	v59 =	vand.u32 $0xFFFFFF80, v58;
	[tilespmem:s0+$0x280] =	vst v4  }
0x1b0: {  	v60 =	vadd.s32 v2, v59;
	v5 =	vand.u32 $0x7F, v58;
	v3 =	vld.idx.msk [tilespmem:v3+s15+$0x0], $0xffff  }
0x1b1: {  	v4 =	vor.u32 v5, v60;
	_ =	sdelay $0x2  }
0x1b2: {  	v61 =	vadd.s32 $0x8, v1  }
0x1b3: {  	v62 =	vand.u32 $0xFFFFFF80, v61;
	[tilespmem:s0+$0x300] =	vst v3  }
0x1b4: {  	v5 =	vand.u32 $0x7F, v61;
	v3 =	vadd.s32 v2, v62;
	v4 =	vld.idx.msk [tilespmem:v4+s15+$0x0], $0xffff  }
0x1b5: {  	v3 =	vor.u32 v5, v3;
	_ =	sdelay $0x1  }
0x1b6: {  	s8 =	sor.u32 s29, s29  }
0x1b7: {  	v63 =	vadd.s32 $0x9, v1;
	s0 =	sor.u32 $0x380, s8  }
0x1b8: {  	v9 =	vand.u32 $0xFFFFFF80, v63;
	[tilespmem:s0+$0x19400] =	vst v4  }
0x1b9: {  	v10 =	vadd.s32 v2, v9;
	v5 =	vand.u32 $0x7F, v63;
	v3 =	vld.idx.msk [tilespmem:v3+s15+$0x0], $0xffff  }
0x1ba: {  	v4 =	vor.u32 v5, v10;
	_ =	sdelay $0x2  }
0x1bb: {  	v11 =	vadd.s32 $0xA, v1  }
0x1bc: {  	v12 =	vand.u32 $0xFFFFFF80, v11;
	[tilespmem:s30+$0x19C00] =	vst v3  }
0x1bd: {  	v5 =	vand.u32 $0x7F, v11;
	v3 =	vadd.s32 v2, v12;
	v4 =	vld.idx.msk [tilespmem:v4+s15+$0x0], $0xffff  }
0x1be: {  	v3 =	vor.u32 v5, v3;
	_ =	sdelay $0x2  }
0x1bf: {  	v13 =	vadd.s32 $0xB, v1  }
0x1c0: {  	v14 =	vand.u32 $0xFFFFFF80, v13;
	[tilespmem:s30+$0x19C80] =	vst v4  }
0x1c1: {  	v15 =	vadd.s32 v2, v14;
	v5 =	vand.u32 $0x7F, v13;
	v3 =	vld.idx.msk [tilespmem:v3+s15+$0x0], $0xffff  }
0x1c2: {  	v4 =	vor.u32 v5, v15;
	_ =	sdelay $0x2  }
0x1c3: {  	v16 =	vadd.s32 $0xC, v1  }
0x1c4: {  	v17 =	vand.u32 $0xFFFFFF80, v16;
	[tilespmem:s30+$0x19D00] =	vst v3  }
0x1c5: {  	v5 =	vand.u32 $0x7F, v16;
	v3 =	vadd.s32 v2, v17;
	v4 =	vld.idx.msk [tilespmem:v4+s15+$0x0], $0xffff  }
0x1c6: {  	v3 =	vor.u32 v5, v3;
	_ =	sdelay $0x2  }
0x1c7: {  	v18 =	vadd.s32 $0xD, v1  }
0x1c8: {  	v19 =	vand.u32 $0xFFFFFF80, v18;
	[tilespmem:s30+$0x19D80] =	vst v4  }
0x1c9: {  	v20 =	vadd.s32 v2, v19;
	v5 =	vand.u32 $0x7F, v18;
	v3 =	vld.idx.msk [tilespmem:v3+s15+$0x0], $0xffff  }
0x1ca: {  	v4 =	vor.u32 v5, v20;
	_ =	sdelay $0x2  }
0x1cb: {  	v21 =	vadd.s32 $0xE, v1  }
0x1cc: {  	v22 =	vand.u32 $0xFFFFFF80, v21;
	[tilespmem:s30+$0x19E00] =	vst v3  }
0x1cd: {  	v5 =	vand.u32 $0x7F, v21;
	v3 =	vadd.s32 v2, v22;
	v4 =	vld.idx.msk [tilespmem:v4+s15+$0x0], $0xffff  }
0x1ce: {  	v3 =	vor.u32 v5, v3;
	_ =	sdelay $0x2  }
0x1cf: {  	v23 =	vadd.s32 $0xF, v1  }
0x1d0: {  	v24 =	vand.u32 $0xFFFFFF80, v23;
	[tilespmem:s30+$0x19E80] =	vst v4  }
0x1d1: {  	v25 =	vadd.s32 v2, v24;
	v5 =	vand.u32 $0x7F, v23;
	v3 =	vld.idx.msk [tilespmem:v3+s15+$0x0], $0xffff  }
0x1d2: {  	v4 =	vor.u32 v5, v25;
	_ =	sdelay $0x2  }
0x1d3: {  	v26 =	vadd.s32 $0x10, v1  }
0x1d4: {  	v27 =	vand.u32 $0xFFFFFF80, v26;
	[tilespmem:s30+$0x19F00] =	vst v3  }
0x1d5: {  	v5 =	vand.u32 $0x7F, v26;
	v3 =	vadd.s32 v2, v27;
	v4 =	vld.idx.msk [tilespmem:v4+s15+$0x0], $0xffff  }
0x1d6: {  	v3 =	vor.u32 v5, v3;
	_ =	sdelay $0x2  }
0x1d7: {  	v28 =	vadd.s32 $0x11, v1  }
0x1d8: {  	v29 =	vand.u32 $0xFFFFFF80, v28;
	[tilespmem:s30+$0x19F80] =	vst v4  }
0x1d9: {  	v30 =	vadd.s32 v2, v29;
	v5 =	vand.u32 $0x7F, v28;
	v3 =	vld.idx.msk [tilespmem:v3+s15+$0x0], $0xffff  }
0x1da: {  	v4 =	vor.u32 v5, v30;
	_ =	sdelay $0x2  }
0x1db: {  	v31 =	vadd.s32 $0x12, v1  }
0x1dc: {  	v32 =	vand.u32 $0xFFFFFF80, v31;
	[tilespmem:s30+$0x1A400] =	vst v3  }
0x1dd: {  	v5 =	vand.u32 $0x7F, v31;
	v3 =	vadd.s32 v2, v32;
	v4 =	vld.idx.msk [tilespmem:v4+s15+$0x0], $0xffff  }
0x1de: {  	v3 =	vor.u32 v5, v3;
	_ =	sdelay $0x2  }
0x1df: {  	v33 =	vadd.s32 $0x13, v1  }
0x1e0: {  	v34 =	vand.u32 $0xFFFFFF80, v33;
	[tilespmem:s30+$0x1A480] =	vst v4  }
0x1e1: {  	v35 =	vadd.s32 v2, v34;
	v5 =	vand.u32 $0x7F, v33;
	v3 =	vld.idx.msk [tilespmem:v3+s15+$0x0], $0xffff  }
0x1e2: {  	v4 =	vor.u32 v5, v35;
	_ =	sdelay $0x2  }
0x1e3: {  	v36 =	vadd.s32 $0x14, v1  }
0x1e4: {  	v37 =	vand.u32 $0xFFFFFF80, v36;
	[tilespmem:s30+$0x1A500] =	vst v3  }
0x1e5: {  	v5 =	vand.u32 $0x7F, v36;
	v3 =	vadd.s32 v2, v37;
	v4 =	vld.idx.msk [tilespmem:v4+s15+$0x0], $0xffff  }
0x1e6: {  	v3 =	vor.u32 v5, v3;
	_ =	sdelay $0x2  }
0x1e7: {  	v38 =	vadd.s32 $0x15, v1  }
0x1e8: {  	v39 =	vand.u32 $0xFFFFFF80, v38;
	[tilespmem:s30+$0x1A580] =	vst v4  }
0x1e9: {  	v40 =	vadd.s32 v2, v39;
	v5 =	vand.u32 $0x7F, v38;
	v3 =	vld.idx.msk [tilespmem:v3+s15+$0x0], $0xffff  }
0x1ea: {  	v4 =	vor.u32 v5, v40;
	_ =	sdelay $0x2  }
0x1eb: {  	v41 =	vadd.s32 $0x16, v1  }
0x1ec: {  	v42 =	vand.u32 $0xFFFFFF80, v41;
	[tilespmem:s30+$0x1A600] =	vst v3  }
0x1ed: {  	v5 =	vand.u32 $0x7F, v41;
	v3 =	vadd.s32 v2, v42;
	v4 =	vld.idx.msk [tilespmem:v4+s15+$0x0], $0xffff  }
0x1ee: {  	v3 =	vor.u32 v5, v3;
	_ =	sdelay $0x2  }
0x1ef: {  	v43 =	vadd.s32 $0x17, v1  }
0x1f0: {  	v44 =	vand.u32 $0xFFFFFF80, v43;
	[tilespmem:s30+$0x1A680] =	vst v4  }
0x1f1: {  	v45 =	vadd.s32 v2, v44;
	v5 =	vand.u32 $0x7F, v43;
	v3 =	vld.idx.msk [tilespmem:v3+s15+$0x0], $0xffff  }
0x1f2: {  	v4 =	vor.u32 v5, v45;
	_ =	sdelay $0x2  }
0x1f3: {  	v46 =	vadd.s32 $0x18, v1  }
0x1f4: {  	v47 =	vand.u32 $0xFFFFFF80, v46;
	[tilespmem:s30+$0x1A700] =	vst v3  }
0x1f5: {  	v5 =	vand.u32 $0x7F, v46;
	v3 =	vadd.s32 v2, v47;
	v4 =	vld.idx.msk [tilespmem:v4+s15+$0x0], $0xffff  }
0x1f6: {  	v3 =	vor.u32 v5, v3;
	_ =	sdelay $0x2  }
0x1f7: {  	v48 =	vadd.s32 $0x19, v1  }
0x1f8: {  	v49 =	vand.u32 $0xFFFFFF80, v48;
	[tilespmem:s30+$0x1A780] =	vst v4  }
0x1f9: {  	v50 =	vadd.s32 v2, v49;
	v5 =	vand.u32 $0x7F, v48;
	v3 =	vld.idx.msk [tilespmem:v3+s15+$0x0], $0xffff  }
0x1fa: {  	v4 =	vor.u32 v5, v50;
	_ =	sdelay $0x2  }
0x1fb: {  	v51 =	vadd.s32 $0x1A, v1  }
0x1fc: {  	v52 =	vand.u32 $0xFFFFFF80, v51;
	[tilespmem:s30+$0x1AC00] =	vst v3  }
0x1fd: {  	v5 =	vand.u32 $0x7F, v51;
	v3 =	vadd.s32 v2, v52;
	v4 =	vld.idx.msk [tilespmem:v4+s15+$0x0], $0xffff  }
0x1fe: {  	v3 =	vor.u32 v5, v3;
	_ =	sdelay $0x2  }
0x1ff: {  	v53 =	vadd.s32 $0x1B, v1  }
0x200: {  	v54 =	vand.u32 $0xFFFFFF80, v53;
	[tilespmem:s30+$0x1AC80] =	vst v4  }
0x201: {  	v55 =	vadd.s32 v2, v54;
	v5 =	vand.u32 $0x7F, v53;
	v3 =	vld.idx.msk [tilespmem:v3+s15+$0x0], $0xffff  }
0x202: {  	v4 =	vor.u32 v5, v55;
	_ =	sdelay $0x2  }
0x203: {  	v56 =	vadd.s32 $0x1C, v1  }
0x204: {  	v57 =	vand.u32 $0xFFFFFF80, v56;
	[tilespmem:s30+$0x1AD00] =	vst v3  }
0x205: {  	v5 =	vand.u32 $0x7F, v56;
	v3 =	vadd.s32 v2, v57;
	v4 =	vld.idx.msk [tilespmem:v4+s15+$0x0], $0xffff  }
0x206: {  	v3 =	vor.u32 v5, v3;
	_ =	sdelay $0x2  }
0x207: {  	v58 =	vadd.s32 $0x1D, v1  }
0x208: {  	v59 =	vand.u32 $0xFFFFFF80, v58;
	[tilespmem:s30+$0x1AD80] =	vst v4  }
0x209: {  	v60 =	vadd.s32 v2, v59;
	v5 =	vand.u32 $0x7F, v58;
	v3 =	vld.idx.msk [tilespmem:v3+s15+$0x0], $0xffff  }
0x20a: {  	v4 =	vor.u32 v5, v60;
	_ =	sdelay $0x2  }
0x20b: {  	v61 =	vadd.s32 $0x1E, v1  }
0x20c: {  	v62 =	vand.u32 $0xFFFFFF80, v61;
	[tilespmem:s30+$0x1AE00] =	vst v3  }
0x20d: {  	v5 =	vand.u32 $0x7F, v61;
	v3 =	vadd.s32 v2, v62;
	v4 =	vld.idx.msk [tilespmem:v4+s15+$0x0], $0xffff  }
0x20e: {  	v3 =	vor.u32 v5, v3;
	_ =	sdelay $0x2  }
0x20f: {  	v1 =	vadd.s32 $0x1F, v1  }
0x210: {  	v63 =	vand.u32 $0xFFFFFF80, v1;
	[tilespmem:s30+$0x1AE80] =	vst v4  }
0x211: {  	v1 =	vand.u32 $0x7F, v1;
	v2 =	vadd.s32 v2, v63;
	v3 =	vld.idx.msk [tilespmem:v3+s15+$0x0], $0xffff  }
0x212: {  	v1 =	vor.u32 v1, v2;
	_ =	sdelay $0x3  }
0x213: {  	[tilespmem:s30+$0x1AF00] =	vst v3  }
0x214: {  	s31 =	simm.s32 $0x10;
	v1 =	vld.idx.msk [tilespmem:v1+s15+$0x0], $0xffff  }
.LBB2_14:
0x215: {  	_ =	sdelay $0x3  }
0x216: {  	p0 =	sne.s32 s31, $0xF0;
	s29 =	sadd.s32 $0x80, s29;
	s28 =	sadd.s32 $0x10, s28;
	[tilespmem:s30+$0x1AF80] =	vst v1  }
0x217: {  	s0 =	smov.u32 s31;
	s31 =	sadd.s32 $0x10, s31;
	v1 =	vld [tilespmem:s28+$0x0];
	_ =	sdelay $0x2  }
0x218: {  	v2 =	vmov s0  }
0x219: {  	v2 =	vshll.u32 v2, $0x7  }
0x21a: {  	v2 =	vor.u32 v0, v2;
	v3 =	vand.u32 $0xFFFFFF80, v1;
	v4 =	vadd.s32 $0x1, v1  }
0x21b: {  	v5 =	vand.u32 $0x7F, v1;
	v3 =	vadd.s32 v2, v3;
	v6 =	vand.u32 $0xFFFFFF80, v4  }
0x21c: {  	v3 =	vor.u32 v5, v3;
	v5 =	vadd.s32 v2, v6;
	v6 =	vadd.s32 $0x2, v1  }
0x21d: {  	v8 =	vadd.s32 $0x3, v1;
	v10 =	vadd.s32 $0x4, v1;
	v7 =	vand.u32 $0xFFFFFF80, v6  }
0x21e: {  	v9 =	vand.u32 $0xFFFFFF80, v8;
	v11 =	vand.u32 $0xFFFFFF80, v10;
	v7 =	vadd.s32 v2, v7  }
0x21f: {  	v53 =	vadd.s32 $0x5, v1;
	v9 =	vadd.s32 v2, v9;
	v11 =	vadd.s32 v2, v11  }
0x220: {  	v51 =	vadd.s32 $0x6, v1;
	v47 =	vadd.s32 $0x7, v1;
	v12 =	vand.u32 $0xFFFFFF80, v53  }
0x221: {  	v13 =	vand.u32 $0xFFFFFF80, v47;
	v54 =	vadd.s32 v2, v12;
	v12 =	vand.u32 $0xFFFFFF80, v51;
	v3 =	vld.idx.msk [tilespmem:v3+s15+$0x0], $0xffff  }
0x222: {  	v4 =	vand.u32 $0x7F, v4;
	v49 =	vadd.s32 v2, v13;
	v52 =	vadd.s32 v2, v12  }
0x223: {  	v48 =	vadd.s32 $0x8, v1;
	v44 =	vadd.s32 $0x9, v1;
	v4 =	vor.u32 v4, v5  }
0x224: {  	v42 =	vadd.s32 $0xA, v1;
	v5 =	vand.u32 $0xFFFFFF80, v48;
	v12 =	vand.u32 $0xFFFFFF80, v44  }
0x225: {  	s2 =	sand.u32 $0x70, s0;
	s3 =	sand.u32 $0x400, s29;
	v50 =	vadd.s32 v2, v5;
	v46 =	vadd.s32 v2, v12;
	v5 =	vand.u32 $0xFFFFFF80, v42  }
0x226: {  	s30 =	sor.u32 s2, s3;
	v41 =	vadd.s32 $0xB, v1;
	v38 =	vadd.s32 $0xC, v1;
	v45 =	vadd.s32 v2, v5  }
0x227: {  	v36 =	vadd.s32 $0xD, v1;
	v5 =	vand.u32 $0xFFFFFF80, v38;
	[tilespmem:s30+$0x19400] =	vst v3;
	v3 =	vand.u32 $0xFFFFFF80, v41  }
0x228: {  	v40 =	vadd.s32 v2, v5;
	v4 =	vld.idx.msk [tilespmem:v4+s15+$0x0], $0xffff;
	v43 =	vadd.s32 v2, v3;
	v3 =	vand.u32 $0xFFFFFF80, v36  }
0x229: {  	v35 =	vadd.s32 $0xE, v1;
	v5 =	vand.u32 $0x7F, v6;
	v39 =	vadd.s32 v2, v3  }
0x22a: {  	v33 =	vadd.s32 $0xF, v1;
	v3 =	vor.u32 v5, v7;
	v5 =	vand.u32 $0xFFFFFF80, v35  }
0x22b: {  	v31 =	vadd.s32 $0x10, v1;
	v37 =	vadd.s32 v2, v5;
	v5 =	vand.u32 $0xFFFFFF80, v33  }
0x22c: {  	v28 =	vadd.s32 $0x11, v1;
	v34 =	vadd.s32 v2, v5;
	v5 =	vand.u32 $0xFFFFFF80, v31  }
0x22d: {  	s2 =	sadd.s32 $0x19400, s30;
	v26 =	vadd.s32 $0x12, v1;
	v32 =	vadd.s32 v2, v5;
	v5 =	vand.u32 $0xFFFFFF80, v28  }
0x22e: {  	v25 =	vadd.s32 $0x13, v1;
	v30 =	vadd.s32 v2, v5;
	[tilespmem:s2+$0x80] =	vst v4;
	v4 =	vand.u32 $0xFFFFFF80, v26  }
0x22f: {  	v22 =	vadd.s32 $0x14, v1;
	v3 =	vld.idx.msk [tilespmem:v3+s15+$0x0], $0xffff;
	v29 =	vadd.s32 v2, v4;
	v4 =	vand.u32 $0xFFFFFF80, v25  }
0x230: {  	v5 =	vand.u32 $0x7F, v8;
	v27 =	vadd.s32 v2, v4;
	v4 =	vand.u32 $0xFFFFFF80, v22  }
0x231: {  	v21 =	vadd.s32 $0x15, v1;
	v5 =	vor.u32 v5, v9;
	v24 =	vadd.s32 v2, v4  }
0x232: {  	v19 =	vadd.s32 $0x16, v1;
	v16 =	vadd.s32 $0x17, v1;
	v4 =	vand.u32 $0xFFFFFF80, v21  }
0x233: {  	v6 =	vand.u32 $0xFFFFFF80, v16;
	v23 =	vadd.s32 v2, v4;
	v4 =	vand.u32 $0xFFFFFF80, v19  }
0x234: {  	v14 =	vadd.s32 $0x18, v1;
	v18 =	vadd.s32 v2, v6;
	v20 =	vadd.s32 v2, v4  }
0x235: {  	v13 =	vadd.s32 $0x19, v1;
	v9 =	vadd.s32 $0x1A, v1;
	[tilespmem:s2+$0x100] =	vst v3;
	v3 =	vand.u32 $0xFFFFFF80, v14  }
0x236: {  	v4 =	vand.u32 $0xFFFFFF80, v9;
	v5 =	vld.idx.msk [tilespmem:v5+s15+$0x0], $0xffff;
	v17 =	vadd.s32 v2, v3;
	v3 =	vand.u32 $0xFFFFFF80, v13  }
0x237: {  	v6 =	vand.u32 $0x7F, v10;
	v12 =	vadd.s32 v2, v4;
	v15 =	vadd.s32 v2, v3  }
0x238: {  	v10 =	vadd.s32 $0x1B, v1;
	v55 =	vor.u32 v6, v11;
	v7 =	vadd.s32 $0x1C, v1  }
0x239: {  	v6 =	vand.u32 $0xFFFFFF80, v7;
	v4 =	vadd.s32 $0x1D, v1;
	v3 =	vand.u32 $0xFFFFFF80, v10  }
0x23a: {  	v8 =	vadd.s32 v2, v6;
	v11 =	vadd.s32 v2, v3;
	v3 =	vand.u32 $0xFFFFFF80, v4  }
0x23b: {  	v6 =	vadd.s32 v2, v3;
	v3 =	vadd.s32 $0x1E, v1;
	v1 =	vadd.s32 $0x1F, v1  }
0x23c: {  	v56 =	vand.u32 $0xFFFFFF80, v1;
	[tilespmem:s2+$0x180] =	vst v5;
	v5 =	vand.u32 $0xFFFFFF80, v3  }
0x23d: {  	v55 =	vld.idx.msk [tilespmem:v55+s15+$0x0], $0xffff;
	v5 =	vadd.s32 v2, v5;
	v2 =	vadd.s32 v2, v56  }
0x23e: {  	v53 =	vand.u32 $0x7F, v53  }
0x23f: {  	v53 =	vor.u32 v53, v54;
	_ =	sdelay $0x3  }
0x240: {  	[tilespmem:s2+$0x200] =	vst v55  }
0x241: {  	v53 =	vld.idx.msk [tilespmem:v53+s15+$0x0], $0xffff  }
0x242: {  	v51 =	vand.u32 $0x7F, v51  }
0x243: {  	v51 =	vor.u32 v51, v52;
	_ =	sdelay $0x3  }
0x244: {  	[tilespmem:s2+$0x280] =	vst v53  }
0x245: {  	v51 =	vld.idx.msk [tilespmem:v51+s15+$0x0], $0xffff  }
0x246: {  	v47 =	vand.u32 $0x7F, v47  }
0x247: {  	v47 =	vor.u32 v47, v49;
	_ =	sdelay $0x3  }
0x248: {  	[tilespmem:s2+$0x300] =	vst v51  }
0x249: {  	v47 =	vld.idx.msk [tilespmem:v47+s15+$0x0], $0xffff  }
0x24a: {  	v48 =	vand.u32 $0x7F, v48  }
0x24b: {  	v48 =	vor.u32 v48, v50;
	_ =	sdelay $0x1  }
0x24c: {  	s0 =	sor.u32 s29, s0  }
0x24d: {  	s0 =	sor.u32 $0x380, s0  }
0x24e: {  	[tilespmem:s0+$0x19400] =	vst v47  }
0x24f: {  	v47 =	vld.idx.msk [tilespmem:v48+s15+$0x0], $0xffff  }
0x250: {  	v44 =	vand.u32 $0x7F, v44  }
0x251: {  	v44 =	vor.u32 v44, v46;
	_ =	sdelay $0x3  }
0x252: {  	[tilespmem:s30+$0x19C00] =	vst v47  }
0x253: {  	v44 =	vld.idx.msk [tilespmem:v44+s15+$0x0], $0xffff  }
0x254: {  	v42 =	vand.u32 $0x7F, v42  }
0x255: {  	v42 =	vor.u32 v42, v45;
	_ =	sdelay $0x3  }
0x256: {  	[tilespmem:s30+$0x19C80] =	vst v44  }
0x257: {  	v42 =	vld.idx.msk [tilespmem:v42+s15+$0x0], $0xffff  }
0x258: {  	v41 =	vand.u32 $0x7F, v41  }
0x259: {  	v41 =	vor.u32 v41, v43;
	_ =	sdelay $0x3  }
0x25a: {  	[tilespmem:s30+$0x19D00] =	vst v42  }
0x25b: {  	v41 =	vld.idx.msk [tilespmem:v41+s15+$0x0], $0xffff  }
0x25c: {  	v38 =	vand.u32 $0x7F, v38  }
0x25d: {  	v38 =	vor.u32 v38, v40;
	_ =	sdelay $0x3  }
0x25e: {  	[tilespmem:s30+$0x19D80] =	vst v41  }
0x25f: {  	v38 =	vld.idx.msk [tilespmem:v38+s15+$0x0], $0xffff  }
0x260: {  	v36 =	vand.u32 $0x7F, v36  }
0x261: {  	v36 =	vor.u32 v36, v39;
	_ =	sdelay $0x3  }
0x262: {  	[tilespmem:s30+$0x19E00] =	vst v38  }
0x263: {  	v36 =	vld.idx.msk [tilespmem:v36+s15+$0x0], $0xffff  }
0x264: {  	v35 =	vand.u32 $0x7F, v35  }
0x265: {  	v35 =	vor.u32 v35, v37;
	_ =	sdelay $0x3  }
0x266: {  	[tilespmem:s30+$0x19E80] =	vst v36  }
0x267: {  	v35 =	vld.idx.msk [tilespmem:v35+s15+$0x0], $0xffff  }
0x268: {  	v33 =	vand.u32 $0x7F, v33  }
0x269: {  	v33 =	vor.u32 v33, v34;
	_ =	sdelay $0x3  }
0x26a: {  	[tilespmem:s30+$0x19F00] =	vst v35  }
0x26b: {  	v33 =	vld.idx.msk [tilespmem:v33+s15+$0x0], $0xffff  }
0x26c: {  	v31 =	vand.u32 $0x7F, v31  }
0x26d: {  	v31 =	vor.u32 v31, v32;
	_ =	sdelay $0x3  }
0x26e: {  	[tilespmem:s30+$0x19F80] =	vst v33  }
0x26f: {  	v31 =	vld.idx.msk [tilespmem:v31+s15+$0x0], $0xffff  }
0x270: {  	v28 =	vand.u32 $0x7F, v28  }
0x271: {  	v28 =	vor.u32 v28, v30;
	_ =	sdelay $0x3  }
0x272: {  	[tilespmem:s30+$0x1A400] =	vst v31  }
0x273: {  	v28 =	vld.idx.msk [tilespmem:v28+s15+$0x0], $0xffff  }
0x274: {  	v26 =	vand.u32 $0x7F, v26  }
0x275: {  	v26 =	vor.u32 v26, v29;
	_ =	sdelay $0x3  }
0x276: {  	[tilespmem:s30+$0x1A480] =	vst v28  }
0x277: {  	v26 =	vld.idx.msk [tilespmem:v26+s15+$0x0], $0xffff  }
0x278: {  	v25 =	vand.u32 $0x7F, v25  }
0x279: {  	v25 =	vor.u32 v25, v27;
	_ =	sdelay $0x3  }
0x27a: {  	[tilespmem:s30+$0x1A500] =	vst v26  }
0x27b: {  	v25 =	vld.idx.msk [tilespmem:v25+s15+$0x0], $0xffff  }
0x27c: {  	v22 =	vand.u32 $0x7F, v22  }
0x27d: {  	v22 =	vor.u32 v22, v24;
	_ =	sdelay $0x3  }
0x27e: {  	[tilespmem:s30+$0x1A580] =	vst v25  }
0x27f: {  	v22 =	vld.idx.msk [tilespmem:v22+s15+$0x0], $0xffff  }
0x280: {  	v21 =	vand.u32 $0x7F, v21  }
0x281: {  	v21 =	vor.u32 v21, v23;
	_ =	sdelay $0x3  }
0x282: {  	[tilespmem:s30+$0x1A600] =	vst v22  }
0x283: {  	v21 =	vld.idx.msk [tilespmem:v21+s15+$0x0], $0xffff  }
0x284: {  	v19 =	vand.u32 $0x7F, v19  }
0x285: {  	v19 =	vor.u32 v19, v20;
	_ =	sdelay $0x3  }
0x286: {  	[tilespmem:s30+$0x1A680] =	vst v21  }
0x287: {  	v19 =	vld.idx.msk [tilespmem:v19+s15+$0x0], $0xffff  }
0x288: {  	v16 =	vand.u32 $0x7F, v16  }
0x289: {  	v16 =	vor.u32 v16, v18;
	_ =	sdelay $0x3  }
0x28a: {  	[tilespmem:s30+$0x1A700] =	vst v19  }
0x28b: {  	v16 =	vld.idx.msk [tilespmem:v16+s15+$0x0], $0xffff  }
0x28c: {  	v14 =	vand.u32 $0x7F, v14  }
0x28d: {  	v14 =	vor.u32 v14, v17;
	_ =	sdelay $0x3  }
0x28e: {  	[tilespmem:s30+$0x1A780] =	vst v16  }
0x28f: {  	v14 =	vld.idx.msk [tilespmem:v14+s15+$0x0], $0xffff  }
0x290: {  	v13 =	vand.u32 $0x7F, v13  }
0x291: {  	v13 =	vor.u32 v13, v15;
	_ =	sdelay $0x3  }
0x292: {  	[tilespmem:s30+$0x1AC00] =	vst v14  }
0x293: {  	v13 =	vld.idx.msk [tilespmem:v13+s15+$0x0], $0xffff  }
0x294: {  	v9 =	vand.u32 $0x7F, v9  }
0x295: {  	v9 =	vor.u32 v9, v12;
	_ =	sdelay $0x3  }
0x296: {  	[tilespmem:s30+$0x1AC80] =	vst v13  }
0x297: {  	v9 =	vld.idx.msk [tilespmem:v9+s15+$0x0], $0xffff  }
0x298: {  	v10 =	vand.u32 $0x7F, v10  }
0x299: {  	v10 =	vor.u32 v10, v11;
	_ =	sdelay $0x3  }
0x29a: {  	[tilespmem:s30+$0x1AD00] =	vst v9  }
0x29b: {  	v9 =	vld.idx.msk [tilespmem:v10+s15+$0x0], $0xffff  }
0x29c: {  	v7 =	vand.u32 $0x7F, v7  }
0x29d: {  	v7 =	vor.u32 v7, v8;
	_ =	sdelay $0x3  }
0x29e: {  	[tilespmem:s30+$0x1AD80] =	vst v9  }
0x29f: {  	v7 =	vld.idx.msk [tilespmem:v7+s15+$0x0], $0xffff  }
0x2a0: {  	v4 =	vand.u32 $0x7F, v4  }
0x2a1: {  	v4 =	vor.u32 v4, v6;
	_ =	sdelay $0x3  }
0x2a2: {  	[tilespmem:s30+$0x1AE00] =	vst v7  }
0x2a3: {  	v4 =	vld.idx.msk [tilespmem:v4+s15+$0x0], $0xffff  }
0x2a4: {  	v3 =	vand.u32 $0x7F, v3  }
0x2a5: {  	v3 =	vor.u32 v3, v5;
	_ =	sdelay $0x3  }
0x2a6: {  	[tilespmem:s30+$0x1AE80] =	vst v4  }
0x2a7: {  	v3 =	vld.idx.msk [tilespmem:v3+s15+$0x0], $0xffff  }
0x2a8: {  	v1 =	vand.u32 $0x7F, v1  }
0x2a9: {  	v1 =	vor.u32 v1, v2  }
.Ltmp7:
0x2aa: {  	(pc) =	sbr.rel @p0 .LBB2_14-.Ltmp7, $3  }
0x2ab: {  	_ =	sdelay $0x1  }
0x2ac: {  	[tilespmem:s30+$0x1AF00] =	vst v3  }
0x2ad: {  	v1 =	vld.idx.msk [tilespmem:v1+s15+$0x0], $0xffff  }
0x2ae: {  	p0 =	sne.s32 s26, $0x32  }
.Ltmp8:
0x2af: {  	_ = 	snop;
	(pc) =	sbr.rel @p0 .LBB2_4-.Ltmp8, $3  }
0x2b0: {  	_ =	sdelay $0x1  }
0x2b1: {  	s0 =	sadd.s32 s25, s6;
	[tilespmem:s30+$0x1AF80] =	vst v1  }
0x2b2: {  	[hbm4b:s0+s17] =	stream.strided.scatter [tilespmem:s21], [sflag:$0x4], $0x2000, s9, s17, $0x38;
	[tilespmem:$0x1B400] =	vst v63  }
0x2b3: {  	_ =	swait.ge [sflag:s22], $0x2000  }
0x2b4: {  	[sflag:s22] =	ssyncset.done $0x0  }
0x2b5: {  	[sflag:s22] =	ssyncadd.s32 $0xFFFFE000  }
0x2b6: {  	_ =	swait.ge [sflag:s20], $0x2000  }
0x2b7: {  	s23 =	sadd.s32 $0x1, s23;
	s0 =	rddreg [dreg:$0x5]  }
0x2b8: {  	p0 =	sne.s32 s23, s0  }
.Ltmp9:
0x2b9: {  	_ = 	snop;
	(pc) =	sbr.rel @p0 .LBB2_1-.Ltmp9, $3  }
0x2ba: {  	_ =	sdelay $0x1  }
0x2bb: {  	[sflag:s20] =	ssyncset.done $0x0  }
0x2bc: {  	[sflag:s20] =	ssyncadd.s32 $0xFFFFE000  }
0x2bd: {  	_ =	sfence.sel $0x180000  }
0x2be: {  	[bflag:$0x0] =	sbarrier.arrive $0xFFFF  }
0x2bf: {  	_ =	strace $0x90000047  }
0x2c0: {  	s0 =	stileid.u32;
	[bflag:$0x2] =	sbarrier.arrive $0xFFFF  }
0x2c1: {  	p0 =	sne.s32 s0, $0x0;
	s0 =	rddreg [dreg:$0x3]  }
0x2c2: {  	s0 =	sadd.s32 @!p0 $0x100000, s0  }
0x2c3: {  	[sflag:s0] =	ssyncadd.tile.s32 @!p0 $0x1;
	_ =	shalt  }
.Lfunc_end2:
_tile_overlayer_lowered:
.L_overlay_start_2:
0x2c4: {  	(tag) =	ssettag $0x2  }
0x2c5: {  	s0 =	rddreg [dreg:$0x0];
	s2 =	stileid.u32  }
0x2c6: {  	s1 =	rddreg [dreg:$0x1];
	p0 =	sne.s32 s2, $0x0  }
0x2c7: {  	s3 =	rddreg [dreg:$0x2];
	[bflag:$0x3] =	sbarrier.arrive $0xFFFF;
	s2 =	simm.s32 @!p0 $0x1C05  }
0x2c8: {  	[timem:s3], [sflag:s2] =	dma.local @!p0 [hbm:s0], s1  }
0x2c9: {  	s0 =	simm.s32 @!p0 $0x5  }
0x2ca: {  	_ =	swait.ge @!p0 [sflag:s0], s1  }
0x2cb: {  	s1 =	ssub.s32 @!p0 $0x0, s1;
	[sflag:s0] =	ssyncset.done @!p0 $0x0  }
0x2cc: {  	[sflag:s0] =	ssyncadd.s32 @!p0 s1  }
0x2cd: {  	[bflag:$0x3] =	sbarrier.arrive $0xFFFF  }
0x2ce: {  	_ =	shalt  }

</sc_bundles>
